<compile_context>
chip_gen: v7x
topology: tpu7x:2x2x1
jax: 0.10.2.dev20260603
libtpu: 0.0.44.dev20260713+nightly
codegen_flags: <defaults>
</compile_context>

<pallas_src>
import jax
import jax.numpy as jnp
from jax import lax
from jax.experimental import pallas as pl
from jax.experimental.pallas import tpu as pltpu
from jax.experimental.pallas import tpu_sc as plsc

N_NODES = 10000
N_EDGES = 320000
D = 128

NC = 2
NS = 16
NW = NC * NS
EDGES_PER_W = N_EDGES // NW
CHUNK = 96
NFULL = EDGES_PER_W // CHUNK
TAIL = EDGES_PER_W - NFULL * CHUNK
NB = 4
NGROUP = NFULL // NB
ROWS_PER_S = 624
ROWS_REM = N_NODES - NS * ROWS_PER_S
ZCOPY = 6
ZREM = ROWS_PER_S - ZCOPY * CHUNK

_SEG_OUT = jax.ShapeDtypeStruct((NC, N_NODES, D), jnp.float32)
_SEG_SCRATCH = [
    pltpu.VMEM_SHARED((N_NODES, D), jnp.float32),
    pltpu.VMEM((CHUNK, D), jnp.float32),
    pltpu.VMEM((CHUNK, D), jnp.float32),
    pltpu.VMEM((CHUNK, D), jnp.float32),
    pltpu.VMEM((CHUNK, D), jnp.float32),
    pltpu.VMEM((CHUNK,), jnp.int32),
    pltpu.VMEM((CHUNK,), jnp.int32),
    pltpu.VMEM((CHUNK,), jnp.int32),
    pltpu.VMEM((CHUNK,), jnp.int32),
    pltpu.VMEM((TAIL,), jnp.int32),
    pltpu.SemaphoreType.DMA,
    pltpu.SemaphoreType.DMA,
    pltpu.SemaphoreType.DMA,
    pltpu.SemaphoreType.DMA,
    pltpu.SemaphoreType.DMA,
    pltpu.SemaphoreType.DMA,
    pltpu.SemaphoreType.DMA,
    pltpu.SemaphoreType.DMA,
]


def _seg_sum_body(h_hbm, dst_hbm, out_hbm, accum, hb0, hb1, hb2, hb3,
                  idx0, idx1, idx2, idx3, idx_t,
                  sh0, sh1, sh2, sh3, si0, si1, si2, si3):
    c = lax.axis_index("c")
    s = lax.axis_index("s")
    wid = c * NS + s

    bufs = (hb0, hb1, hb2, hb3)
    idxs = (idx0, idx1, idx2, idx3)
    hsems = (sh0, sh1, sh2, sh3)
    isems = (si0, si1, si2, si3)

    def start_loads(k, b):
        base = pl.multiple_of(wid * EDGES_PER_W + k * CHUNK, 8)
        pltpu.async_copy(dst_hbm.at[pl.ds(base, CHUNK)], idxs[b], isems[b])
        pltpu.async_copy(h_hbm.at[pl.ds(base, CHUNK)], bufs[b], hsems[b])

    for b in range(1, NB):
        start_loads(b, b)

    def zstore(i, carry):
        for j in range(D // 16):
            hb0[i, pl.ds(j * 16, 16)] = jnp.zeros((16,), jnp.float32)
        return carry

    lax.fori_loop(0, CHUNK, zstore, 0)
    rstart = pl.multiple_of(s * ROWS_PER_S, 8)
    for t in range(ZCOPY):
        pltpu.sync_copy(hb0, accum.at[pl.ds(rstart + t * CHUNK, CHUNK)])
    pltpu.sync_copy(hb0.at[pl.ds(0, ZREM)],
                    accum.at[pl.ds(rstart + ZCOPY * CHUNK, ZREM)])

    @pl.when(s == NS - 1)
    def _():
        pltpu.sync_copy(hb0.at[pl.ds(0, ROWS_REM)],
                        accum.at[pl.ds(NS * ROWS_PER_S, ROWS_REM)])

    start_loads(0, 0)
    plsc.subcore_barrier()

    def ring_body(g, carry):
        for b in range(NB):
            k = g * NB + b
            pltpu.make_async_copy(dst_hbm.at[pl.ds(0, CHUNK)], idxs[b], isems[b]).wait()
            pltpu.make_async_copy(h_hbm.at[pl.ds(0, CHUNK)], bufs[b], hsems[b]).wait()
            pltpu.sync_copy(bufs[b], accum.at[idxs[b]], add=True)

            @pl.when(g < NGROUP - 1)
            def _():
                start_loads(k + NB, b)

        return carry

    lax.fori_loop(0, NGROUP, ring_body, 0)

    tbase = pl.multiple_of(wid * EDGES_PER_W + NFULL * CHUNK, 8)
    pltpu.sync_copy(dst_hbm.at[pl.ds(tbase, TAIL)], idx_t)
    pltpu.sync_copy(h_hbm.at[pl.ds(tbase, TAIL)], hb0.at[pl.ds(0, TAIL)])
    pltpu.sync_copy(hb0.at[pl.ds(0, TAIL)], accum.at[idx_t], add=True)

    plsc.subcore_barrier()
    pltpu.sync_copy(
        accum.at[pl.ds(rstart, ROWS_PER_S)],
        out_hbm.at[c, pl.ds(rstart, ROWS_PER_S)],
    )

    @pl.when(s == NS - 1)
    def _():
        pltpu.sync_copy(
            accum.at[pl.ds(NS * ROWS_PER_S, ROWS_REM)],
            out_hbm.at[c, pl.ds(NS * ROWS_PER_S, ROWS_REM)],
        )


_seg_sum = pl.kernel(
    _seg_sum_body,
    out_type=_SEG_OUT,
    mesh=plsc.VectorSubcoreMesh(
        core_axis_name="c", subcore_axis_name="s", num_cores=NC, num_subcores=NS
    ),
    scratch_types=_SEG_SCRATCH,
)

_BLK = 1000


def _pre_body(x_ref, w_ref, b_ref, o_ref):
    dn = (((1,), (1,)), ((), ()))
    acc = lax.dot_general(x_ref[:], w_ref[:, :D], dn,
                          preferred_element_type=jnp.float32)
    o_ref[:] = acc + b_ref[0:1, :]


def _pre(x, W, b):
    b2 = jnp.broadcast_to(b[None, :], (8, D))
    return pl.pallas_call(
        _pre_body,
        grid=(N_NODES // _BLK,),
        in_specs=[
            pl.BlockSpec((_BLK, D), lambda i: (i, 0)),
            pl.BlockSpec((D, 2 * D), lambda i: (0, 0)),
            pl.BlockSpec((8, D), lambda i: (0, 0)),
        ],
        out_specs=pl.BlockSpec((_BLK, D), lambda i: (i, 0)),
        out_shape=jax.ShapeDtypeStruct((N_NODES, D), jnp.float32),
    )(x, W, b2)


def _post_body(pre_ref, ps_ref, w_ref, o_ref):
    dn = (((1,), (1,)), ((), ()))
    a = ps_ref[0] + ps_ref[1]
    acc = lax.dot_general(a, w_ref[:, D:], dn,
                          preferred_element_type=jnp.float32)
    o_ref[:] = jnp.maximum(acc + pre_ref[:], 0.0)


def _post(pre, partial_sums, W):
    return pl.pallas_call(
        _post_body,
        grid=(N_NODES // _BLK,),
        in_specs=[
            pl.BlockSpec((_BLK, D), lambda i: (i, 0)),
            pl.BlockSpec((NC, _BLK, D), lambda i: (0, i, 0)),
            pl.BlockSpec((D, 2 * D), lambda i: (0, 0)),
        ],
        out_specs=pl.BlockSpec((_BLK, D), lambda i: (i, 0)),
        out_shape=jax.ShapeDtypeStruct((N_NODES, D), jnp.float32),
    )(pre, partial_sums, W)


def kernel(x, h, edge_index, W, b):
    dst = edge_index[1].astype(jnp.int32)
    xwb = _pre(x, W, b)
    partial_sums = _seg_sum(h, dst)
    return _post(xwb, partial_sums, W)

# --- scband reference (transcript-rebuilt; emitter-appended) ---
"""Pipeline reference for scband-dmpnnlast-layer-39118562132568 (READ-ONLY COPY).

The authoritative reference and input builder live on the scoring server;
editing this copy changes nothing except your own understanding.
"""

import jax, jax.numpy as jnp
import numpy as np

N_NODES = 10000
N_EDGES = 320000
D_NODE = 128
D_HID = 128


def setup_inputs(seed: int = 0) -> dict:
    key = jax.random.key(seed)
    k1, k2, k3, k4, k5 = jax.random.split(key, 5)
    x = jax.random.normal(k1, (N_NODES, D_NODE), dtype=jnp.float32)
    h = jax.random.normal(k2, (N_EDGES, D_HID), dtype=jnp.float32)
    edge_index = jax.random.randint(k3, (2, N_EDGES), 0, N_NODES, dtype=jnp.int64)
    # Linear: in_features = num_node_features + hidden_channels = 256, out = 128
    fan_in = D_NODE + D_HID
    bound = 1.0 / np.sqrt(fan_in)
    W = jax.random.uniform(k4, (D_HID, D_NODE + D_HID), minval=-bound, maxval=bound, dtype=jnp.float32)
    b = jax.random.uniform(k5, (D_HID,), minval=-bound, maxval=bound, dtype=jnp.float32)
    return {"x": x, "h": h, "edge_index": edge_index, "W": W, "b": b}


def reference(x, h, edge_index, W, b):
    # Aggregate edge embeddings onto destination nodes (aggr='add')
    dst = edge_index[1]
    h_aggr = jax.ops.segment_sum(h, dst, num_segments=N_NODES)
    # Concatenate node features with aggregated edge features
    q = jnp.concatenate([x, h_aggr], axis=1)
    # Linear + ReLU activation
    out = q @ W.T + b
    out = jax.nn.relu(out)
    return out

if __name__ == "__main__":
    import jax
    _d = setup_inputs()
    print(jax.jit(kernel)(*tuple(_d.values())))

</pallas_src>

<mosaic_0001>
#map = affine_map<(d0, d1) -> (0, 0)>
#map1 = affine_map<(d0, d1) -> (0)>
#map2 = affine_map<(d0, d1) -> (0, 0, 0)>
module attributes {stable_mosaic.version = 14 : i64} {
  func.func @_seg_sum_body(%arg0: i32, %arg1: i32, %arg2: memref<320000x128xf32, #tpu.memory_space<hbm>>, %arg3: memref<320000xi32, #tpu.memory_space<hbm>>, %arg4: memref<2x10000x128xf32, #tpu.memory_space<hbm>>, %arg5: memref<10000x128xf32, #tpu.memory_space<vmem_shared>>, %arg6: memref<96x128xf32, #tpu.memory_space<vmem>>, %arg7: memref<96x128xf32, #tpu.memory_space<vmem>>, %arg8: memref<96x128xf32, #tpu.memory_space<vmem>>, %arg9: memref<96x128xf32, #tpu.memory_space<vmem>>, %arg10: memref<96xi32, #tpu.memory_space<vmem>>, %arg11: memref<96xi32, #tpu.memory_space<vmem>>, %arg12: memref<96xi32, #tpu.memory_space<vmem>>, %arg13: memref<96xi32, #tpu.memory_space<vmem>>, %arg14: memref<16xi32, #tpu.memory_space<vmem>>, %arg15: memref<!tpu.dma_semaphore, #tpu.memory_space<semaphore_mem>>, %arg16: memref<!tpu.dma_semaphore, #tpu.memory_space<semaphore_mem>>, %arg17: memref<!tpu.dma_semaphore, #tpu.memory_space<semaphore_mem>>, %arg18: memref<!tpu.dma_semaphore, #tpu.memory_space<semaphore_mem>>, %arg19: memref<!tpu.dma_semaphore, #tpu.memory_space<semaphore_mem>>, %arg20: memref<!tpu.dma_semaphore, #tpu.memory_space<semaphore_mem>>, %arg21: memref<!tpu.dma_semaphore, #tpu.memory_space<semaphore_mem>>, %arg22: memref<!tpu.dma_semaphore, #tpu.memory_space<semaphore_mem>>) attributes {dimension_semantics = [#tpu.dimension_semantics<core_parallel>, #tpu.dimension_semantics<subcore_parallel>], iteration_bounds = array<i64: 2, 16>, scalar_prefetch = 0 : i64, scratch_operands = 18 : i64, tpu.core_type = #tpu.core_type<sc_vector_subcore>, window_params = [{transform_indices = #map}, {transform_indices = #map1}, {transform_indices = #map2}]} {
    %mul3A = arith.constant 16 : i32
    %mul3A_0 = arith.muli %arg0, %mul3A : i32
    %add3A = arith.addi %mul3A_0, %arg1 : i32
    %mul3A_1 = arith.constant 10000 : i32
    %mul3A_2 = arith.muli %add3A, %mul3A_1 : i32
    %add3A_3 = arith.constant 96 : i32
    %add3A_4 = arith.addi %mul3A_2, %add3A_3 : i32
    %multiple_of3A = tpu.assume_multiple %add3A_4, 8 : i32
    %dma_start3A = tpu.memref_slice %arg3[%multiple_of3A] : memref<320000xi32, #tpu.memory_space<hbm>> -> memref<96xi32, #tpu.memory_space<hbm>>
    %dma_start3A_5 = tpu.memref_slice %arg3[%multiple_of3A] : memref<320000xi32, #tpu.memory_space<hbm>> -> memref<96xi32, #tpu.memory_space<hbm>>
    tpu.enqueue_dma source(%dma_start3A_5 : memref<96xi32, #tpu.memory_space<hbm>>) target(%arg11 : memref<96xi32, #tpu.memory_space<vmem>>) target_semaphore(%arg20 : memref<!tpu.dma_semaphore, #tpu.memory_space<semaphore_mem>>)
    %dma_start3A_6 = arith.constant 0 : i32
    %dma_start3A_7 = tpu.memref_slice %arg2[%multiple_of3A, %dma_start3A_6] : memref<320000x128xf32, #tpu.memory_space<hbm>> -> memref<96x128xf32, #tpu.memory_space<hbm>>
    %dma_start3A_8 = arith.constant 0 : i32
    %dma_start3A_9 = tpu.memref_slice %arg2[%multiple_of3A, %dma_start3A_8] : memref<320000x128xf32, #tpu.memory_space<hbm>> -> memref<96x128xf32, #tpu.memory_space<hbm>>
    tpu.enqueue_dma source(%dma_start3A_9 : memref<96x128xf32, #tpu.memory_space<hbm>>) target(%arg7 : memref<96x128xf32, #tpu.memory_space<vmem>>) target_semaphore(%arg16 : memref<!tpu.dma_semaphore, #tpu.memory_space<semaphore_mem>>)
    %mul3A_10 = arith.constant 10000 : i32
    %mul3A_11 = arith.muli %add3A, %mul3A_10 : i32
    %add3A_12 = arith.constant 192 : i32
    %add3A_13 = arith.addi %mul3A_11, %add3A_12 : i32
    %multiple_of3A_14 = tpu.assume_multiple %add3A_13, 8 : i32
    %dma_start3A_15 = tpu.memref_slice %arg3[%multiple_of3A_14] : memref<320000xi32, #tpu.memory_space<hbm>> -> memref<96xi32, #tpu.memory_space<hbm>>
    %dma_start3A_16 = tpu.memref_slice %arg3[%multiple_of3A_14] : memref<320000xi32, #tpu.memory_space<hbm>> -> memref<96xi32, #tpu.memory_space<hbm>>
    tpu.enqueue_dma source(%dma_start3A_16 : memref<96xi32, #tpu.memory_space<hbm>>) target(%arg12 : memref<96xi32, #tpu.memory_space<vmem>>) target_semaphore(%arg21 : memref<!tpu.dma_semaphore, #tpu.memory_space<semaphore_mem>>)
    %dma_start3A_17 = arith.constant 0 : i32
    %dma_start3A_18 = tpu.memref_slice %arg2[%multiple_of3A_14, %dma_start3A_17] : memref<320000x128xf32, #tpu.memory_space<hbm>> -> memref<96x128xf32, #tpu.memory_space<hbm>>
    %dma_start3A_19 = arith.constant 0 : i32
    %dma_start3A_20 = tpu.memref_slice %arg2[%multiple_of3A_14, %dma_start3A_19] : memref<320000x128xf32, #tpu.memory_space<hbm>> -> memref<96x128xf32, #tpu.memory_space<hbm>>
    tpu.enqueue_dma source(%dma_start3A_20 : memref<96x128xf32, #tpu.memory_space<hbm>>) target(%arg8 : memref<96x128xf32, #tpu.memory_space<vmem>>) target_semaphore(%arg17 : memref<!tpu.dma_semaphore, #tpu.memory_space<semaphore_mem>>)
    %mul3A_21 = arith.constant 10000 : i32
    %mul3A_22 = arith.muli %add3A, %mul3A_21 : i32
    %add3A_23 = arith.constant 288 : i32
    %add3A_24 = arith.addi %mul3A_22, %add3A_23 : i32
    %multiple_of3A_25 = tpu.assume_multiple %add3A_24, 8 : i32
    %dma_start3A_26 = tpu.memref_slice %arg3[%multiple_of3A_25] : memref<320000xi32, #tpu.memory_space<hbm>> -> memref<96xi32, #tpu.memory_space<hbm>>
    %dma_start3A_27 = tpu.memref_slice %arg3[%multiple_of3A_25] : memref<320000xi32, #tpu.memory_space<hbm>> -> memref<96xi32, #tpu.memory_space<hbm>>
    tpu.enqueue_dma source(%dma_start3A_27 : memref<96xi32, #tpu.memory_space<hbm>>) target(%arg13 : memref<96xi32, #tpu.memory_space<vmem>>) target_semaphore(%arg22 : memref<!tpu.dma_semaphore, #tpu.memory_space<semaphore_mem>>)
    %dma_start3A_28 = arith.constant 0 : i32
    %dma_start3A_29 = tpu.memref_slice %arg2[%multiple_of3A_25, %dma_start3A_28] : memref<320000x128xf32, #tpu.memory_space<hbm>> -> memref<96x128xf32, #tpu.memory_space<hbm>>
    %dma_start3A_30 = arith.constant 0 : i32
    %dma_start3A_31 = tpu.memref_slice %arg2[%multiple_of3A_25, %dma_start3A_30] : memref<320000x128xf32, #tpu.memory_space<hbm>> -> memref<96x128xf32, #tpu.memory_space<hbm>>
    tpu.enqueue_dma source(%dma_start3A_31 : memref<96x128xf32, #tpu.memory_space<hbm>>) target(%arg9 : memref<96x128xf32, #tpu.memory_space<vmem>>) target_semaphore(%arg18 : memref<!tpu.dma_semaphore, #tpu.memory_space<semaphore_mem>>)
    %scan3A = arith.constant 0 : i32
    %scan3A_32 = arith.constant 0 : i32
    %scan3A_33 = arith.constant 96 : i32
    %scan3A_34 = arith.addi %scan3A_32, %scan3A_33 : i32
    %scan3A_35 = arith.constant 1 : i32
    scf.for %scan3A_84 = %scan3A_32 to %scan3A_34 step %scan3A_35  : i32 {
      %broadcast_in_dim3A = arith.constant 0.000000e+00 : f32
      %broadcast_in_dim3A_85 = vector.broadcast %broadcast_in_dim3A : f32 to vector<16xf32>
      %swap3A = arith.index_cast %scan3A_84 : i32 to index
      %swap3A_86 = arith.constant 0 : index
      %swap3A_87 = tpu.vector_load %arg6[%swap3A, %swap3A_86] {strides = array<i32>} : memref<96x128xf32, #tpu.memory_space<vmem>>, vector<1x16xf32>,
      %swap3A_88 = vector.shape_cast %swap3A_87 : vector<1x16xf32> to vector<16xf32>
      %swap3A_89 = vector.shape_cast %broadcast_in_dim3A_85 : vector<16xf32> to vector<1x16xf32>
      tpu.vector_store %arg6[%swap3A, %swap3A_86], %swap3A_89 {strides = array<i32>} : memref<96x128xf32, #tpu.memory_space<vmem>>, vector<1x16xf32>,
      %broadcast_in_dim3A_90 = arith.constant 0.000000e+00 : f32
      %broadcast_in_dim3A_91 = vector.broadcast %broadcast_in_dim3A_90 : f32 to vector<16xf32>
      %swap3A_92 = arith.index_cast %scan3A_84 : i32 to index
      %swap3A_93 = arith.constant 16 : index
      %swap3A_94 = tpu.vector_load %arg6[%swap3A_92, %swap3A_93] {strides = array<i32>} : memref<96x128xf32, #tpu.memory_space<vmem>>, vector<1x16xf32>,
      %swap3A_95 = vector.shape_cast %swap3A_94 : vector<1x16xf32> to vector<16xf32>
      %swap3A_96 = vector.shape_cast %broadcast_in_dim3A_91 : vector<16xf32> to vector<1x16xf32>
      tpu.vector_store %arg6[%swap3A_92, %swap3A_93], %swap3A_96 {strides = array<i32>} : memref<96x128xf32, #tpu.memory_space<vmem>>, vector<1x16xf32>,
      %broadcast_in_dim3A_97 = arith.constant 0.000000e+00 : f32
      %broadcast_in_dim3A_98 = vector.broadcast %broadcast_in_dim3A_97 : f32 to vector<16xf32>
      %swap3A_99 = arith.index_cast %scan3A_84 : i32 to index
      %swap3A_100 = arith.constant 32 : index
      %swap3A_101 = tpu.vector_load %arg6[%swap3A_99, %swap3A_100] {strides = array<i32>} : memref<96x128xf32, #tpu.memory_space<vmem>>, vector<1x16xf32>,
      %swap3A_102 = vector.shape_cast %swap3A_101 : vector<1x16xf32> to vector<16xf32>
      %swap3A_103 = vector.shape_cast %broadcast_in_dim3A_98 : vector<16xf32> to vector<1x16xf32>
      tpu.vector_store %arg6[%swap3A_99, %swap3A_100], %swap3A_103 {strides = array<i32>} : memref<96x128xf32, #tpu.memory_space<vmem>>, vector<1x16xf32>,
      %broadcast_in_dim3A_104 = arith.constant 0.000000e+00 : f32
      %broadcast_in_dim3A_105 = vector.broadcast %broadcast_in_dim3A_104 : f32 to vector<16xf32>
      %swap3A_106 = arith.index_cast %scan3A_84 : i32 to index
      %swap3A_107 = arith.constant 48 : index
      %swap3A_108 = tpu.vector_load %arg6[%swap3A_106, %swap3A_107] {strides = array<i32>} : memref<96x128xf32, #tpu.memory_space<vmem>>, vector<1x16xf32>,
      %swap3A_109 = vector.shape_cast %swap3A_108 : vector<1x16xf32> to vector<16xf32>
      %swap3A_110 = vector.shape_cast %broadcast_in_dim3A_105 : vector<16xf32> to vector<1x16xf32>
      tpu.vector_store %arg6[%swap3A_106, %swap3A_107], %swap3A_110 {strides = array<i32>} : memref<96x128xf32, #tpu.memory_space<vmem>>, vector<1x16xf32>,
      %broadcast_in_dim3A_111 = arith.constant 0.000000e+00 : f32
      %broadcast_in_dim3A_112 = vector.broadcast %broadcast_in_dim3A_111 : f32 to vector<16xf32>
      %swap3A_113 = arith.index_cast %scan3A_84 : i32 to index
      %swap3A_114 = arith.constant 64 : index
      %swap3A_115 = tpu.vector_load %arg6[%swap3A_113, %swap3A_114] {strides = array<i32>} : memref<96x128xf32, #tpu.memory_space<vmem>>, vector<1x16xf32>,
      %swap3A_116 = vector.shape_cast %swap3A_115 : vector<1x16xf32> to vector<16xf32>
      %swap3A_117 = vector.shape_cast %broadcast_in_dim3A_112 : vector<16xf32> to vector<1x16xf32>
      tpu.vector_store %arg6[%swap3A_113, %swap3A_114], %swap3A_117 {strides = array<i32>} : memref<96x128xf32, #tpu.memory_space<vmem>>, vector<1x16xf32>,
      %broadcast_in_dim3A_118 = arith.constant 0.000000e+00 : f32
      %broadcast_in_dim3A_119 = vector.broadcast %broadcast_in_dim3A_118 : f32 to vector<16xf32>
      %swap3A_120 = arith.index_cast %scan3A_84 : i32 to index
      %swap3A_121 = arith.constant 80 : index
      %swap3A_122 = tpu.vector_load %arg6[%swap3A_120, %swap3A_121] {strides = array<i32>} : memref<96x128xf32, #tpu.memory_space<vmem>>, vector<1x16xf32>,
      %swap3A_123 = vector.shape_cast %swap3A_122 : vector<1x16xf32> to vector<16xf32>
      %swap3A_124 = vector.shape_cast %broadcast_in_dim3A_119 : vector<16xf32> to vector<1x16xf32>
      tpu.vector_store %arg6[%swap3A_120, %swap3A_121], %swap3A_124 {strides = array<i32>} : memref<96x128xf32, #tpu.memory_space<vmem>>, vector<1x16xf32>,
      %broadcast_in_dim3A_125 = arith.constant 0.000000e+00 : f32
      %broadcast_in_dim3A_126 = vector.broadcast %broadcast_in_dim3A_125 : f32 to vector<16xf32>
      %swap3A_127 = arith.index_cast %scan3A_84 : i32 to index
      %swap3A_128 = arith.constant 96 : index
      %swap3A_129 = tpu.vector_load %arg6[%swap3A_127, %swap3A_128] {strides = array<i32>} : memref<96x128xf32, #tpu.memory_space<vmem>>, vector<1x16xf32>,
      %swap3A_130 = vector.shape_cast %swap3A_129 : vector<1x16xf32> to vector<16xf32>
      %swap3A_131 = vector.shape_cast %broadcast_in_dim3A_126 : vector<16xf32> to vector<1x16xf32>
      tpu.vector_store %arg6[%swap3A_127, %swap3A_128], %swap3A_131 {strides = array<i32>} : memref<96x128xf32, #tpu.memory_space<vmem>>, vector<1x16xf32>,
      %broadcast_in_dim3A_132 = arith.constant 0.000000e+00 : f32
      %broadcast_in_dim3A_133 = vector.broadcast %broadcast_in_dim3A_132 : f32 to vector<16xf32>
      %swap3A_134 = arith.index_cast %scan3A_84 : i32 to index
      %swap3A_135 = arith.constant 112 : index
      %swap3A_136 = tpu.vector_load %arg6[%swap3A_134, %swap3A_135] {strides = array<i32>} : memref<96x128xf32, #tpu.memory_space<vmem>>, vector<1x16xf32>,
      %swap3A_137 = vector.shape_cast %swap3A_136 : vector<1x16xf32> to vector<16xf32>
      %swap3A_138 = vector.shape_cast %broadcast_in_dim3A_133 : vector<16xf32> to vector<1x16xf32>
      tpu.vector_store %arg6[%swap3A_134, %swap3A_135], %swap3A_138 {strides = array<i32>} : memref<96x128xf32, #tpu.memory_space<vmem>>, vector<1x16xf32>,
    }
    %scan3A_36 = arith.constant 96 : i32
    %mul3A_37 = arith.constant 624 : i32
    %mul3A_38 = arith.muli %arg1, %mul3A_37 : i32
    %multiple_of3A_39 = tpu.assume_multiple %mul3A_38, 8 : i32
    %add3A_40 = arith.constant 0 : i32
    %add3A_41 = arith.addi %multiple_of3A_39, %add3A_40 : i32
    "tpu.region"() ({
      %run_scoped3A = tpu.sem_alloc : memref<!tpu.dma_semaphore, #tpu.memory_space<semaphore_mem>>
      %dma_start3A_84 = arith.constant 0 : i32
      %dma_start3A_85 = tpu.memref_slice %arg5[%add3A_41, %dma_start3A_84] : memref<10000x128xf32, #tpu.memory_space<vmem_shared>> -> memref<96x128xf32, #tpu.memory_space<vmem_shared>>
      %dma_start3A_86 = arith.constant 0 : i32
      %dma_start3A_87 = tpu.memref_slice %arg5[%add3A_41, %dma_start3A_86] : memref<10000x128xf32, #tpu.memory_space<vmem_shared>> -> memref<96x128xf32, #tpu.memory_space<vmem_shared>>
      tpu.enqueue_dma source(%arg6 : memref<96x128xf32, #tpu.memory_space<vmem>>) target(%dma_start3A_87 : memref<96x128xf32, #tpu.memory_space<vmem_shared>>) target_semaphore(%run_scoped3A : memref<!tpu.dma_semaphore, #tpu.memory_space<semaphore_mem>>)
      %dma_wait3A = arith.constant 0 : i32
      %dma_wait3A_88 = tpu.memref_slice %arg5[%add3A_41, %dma_wait3A] : memref<10000x128xf32, #tpu.memory_space<vmem_shared>> -> memref<96x128xf32, #tpu.memory_space<vmem_shared>>
      %dma_wait3A_89 = arith.constant 0 : i32
      %dma_wait3A_90 = tpu.memref_slice %arg5[%add3A_41, %dma_wait3A_89] : memref<10000x128xf32, #tpu.memory_space<vmem_shared>> -> memref<96x128xf32, #tpu.memory_space<vmem_shared>>
      tpu.wait_dma2 semaphore(%run_scoped3A : memref<!tpu.dma_semaphore, #tpu.memory_space<semaphore_mem>>) src(%arg6 : memref<96x128xf32, #tpu.memory_space<vmem>>) dst(%dma_wait3A_90 : memref<96x128xf32, #tpu.memory_space<vmem_shared>>)
      tpu.yield
    }) : () -> ()
    %add3A_42 = arith.constant 96 : i32
    %add3A_43 = arith.addi %multiple_of3A_39, %add3A_42 : i32
    "tpu.region"() ({
      %run_scoped3A = tpu.sem_alloc : memref<!tpu.dma_semaphore, #tpu.memory_space<semaphore_mem>>
      %dma_start3A_84 = arith.constant 0 : i32
      %dma_start3A_85 = tpu.memref_slice %arg5[%add3A_43, %dma_start3A_84] : memref<10000x128xf32, #tpu.memory_space<vmem_shared>> -> memref<96x128xf32, #tpu.memory_space<vmem_shared>>
      %dma_start3A_86 = arith.constant 0 : i32
      %dma_start3A_87 = tpu.memref_slice %arg5[%add3A_43, %dma_start3A_86] : memref<10000x128xf32, #tpu.memory_space<vmem_shared>> -> memref<96x128xf32, #tpu.memory_space<vmem_shared>>
      tpu.enqueue_dma source(%arg6 : memref<96x128xf32, #tpu.memory_space<vmem>>) target(%dma_start3A_87 : memref<96x128xf32, #tpu.memory_space<vmem_shared>>) target_semaphore(%run_scoped3A : memref<!tpu.dma_semaphore, #tpu.memory_space<semaphore_mem>>)
      %dma_wait3A = arith.constant 0 : i32
      %dma_wait3A_88 = tpu.memref_slice %arg5[%add3A_43, %dma_wait3A] : memref<10000x128xf32, #tpu.memory_space<vmem_shared>> -> memref<96x128xf32, #tpu.memory_space<vmem_shared>>
      %dma_wait3A_89 = arith.constant 0 : i32
      %dma_wait3A_90 = tpu.memref_slice %arg5[%add3A_43, %dma_wait3A_89] : memref<10000x128xf32, #tpu.memory_space<vmem_shared>> -> memref<96x128xf32, #tpu.memory_space<vmem_shared>>
      tpu.wait_dma2 semaphore(%run_scoped3A : memref<!tpu.dma_semaphore, #tpu.memory_space<semaphore_mem>>) src(%arg6 : memref<96x128xf32, #tpu.memory_space<vmem>>) dst(%dma_wait3A_90 : memref<96x128xf32, #tpu.memory_space<vmem_shared>>)
      tpu.yield
    }) : () -> ()
    %add3A_44 = arith.constant 192 : i32
    %add3A_45 = arith.addi %multiple_of3A_39, %add3A_44 : i32
    "tpu.region"() ({
      %run_scoped3A = tpu.sem_alloc : memref<!tpu.dma_semaphore, #tpu.memory_space<semaphore_mem>>
      %dma_start3A_84 = arith.constant 0 : i32
      %dma_start3A_85 = tpu.memref_slice %arg5[%add3A_45, %dma_start3A_84] : memref<10000x128xf32, #tpu.memory_space<vmem_shared>> -> memref<96x128xf32, #tpu.memory_space<vmem_shared>>
      %dma_start3A_86 = arith.constant 0 : i32
      %dma_start3A_87 = tpu.memref_slice %arg5[%add3A_45, %dma_start3A_86] : memref<10000x128xf32, #tpu.memory_space<vmem_shared>> -> memref<96x128xf32, #tpu.memory_space<vmem_shared>>
      tpu.enqueue_dma source(%arg6 : memref<96x128xf32, #tpu.memory_space<vmem>>) target(%dma_start3A_87 : memref<96x128xf32, #tpu.memory_space<vmem_shared>>) target_semaphore(%run_scoped3A : memref<!tpu.dma_semaphore, #tpu.memory_space<semaphore_mem>>)
      %dma_wait3A = arith.constant 0 : i32
      %dma_wait3A_88 = tpu.memref_slice %arg5[%add3A_45, %dma_wait3A] : memref<10000x128xf32, #tpu.memory_space<vmem_shared>> -> memref<96x128xf32, #tpu.memory_space<vmem_shared>>
      %dma_wait3A_89 = arith.constant 0 : i32
      %dma_wait3A_90 = tpu.memref_slice %arg5[%add3A_45, %dma_wait3A_89] : memref<10000x128xf32, #tpu.memory_space<vmem_shared>> -> memref<96x128xf32, #tpu.memory_space<vmem_shared>>
      tpu.wait_dma2 semaphore(%run_scoped3A : memref<!tpu.dma_semaphore, #tpu.memory_space<semaphore_mem>>) src(%arg6 : memref<96x128xf32, #tpu.memory_space<vmem>>) dst(%dma_wait3A_90 : memref<96x128xf32, #tpu.memory_space<vmem_shared>>)
      tpu.yield
    }) : () -> ()
    %add3A_46 = arith.constant 288 : i32
    %add3A_47 = arith.addi %multiple_of3A_39, %add3A_46 : i32
    "tpu.region"() ({
      %run_scoped3A = tpu.sem_alloc : memref<!tpu.dma_semaphore, #tpu.memory_space<semaphore_mem>>
      %dma_start3A_84 = arith.constant 0 : i32
      %dma_start3A_85 = tpu.memref_slice %arg5[%add3A_47, %dma_start3A_84] : memref<10000x128xf32, #tpu.memory_space<vmem_shared>> -> memref<96x128xf32, #tpu.memory_space<vmem_shared>>
      %dma_start3A_86 = arith.constant 0 : i32
      %dma_start3A_87 = tpu.memref_slice %arg5[%add3A_47, %dma_start3A_86] : memref<10000x128xf32, #tpu.memory_space<vmem_shared>> -> memref<96x128xf32, #tpu.memory_space<vmem_shared>>
      tpu.enqueue_dma source(%arg6 : memref<96x128xf32, #tpu.memory_space<vmem>>) target(%dma_start3A_87 : memref<96x128xf32, #tpu.memory_space<vmem_shared>>) target_semaphore(%run_scoped3A : memref<!tpu.dma_semaphore, #tpu.memory_space<semaphore_mem>>)
      %dma_wait3A = arith.constant 0 : i32
      %dma_wait3A_88 = tpu.memref_slice %arg5[%add3A_47, %dma_wait3A] : memref<10000x128xf32, #tpu.memory_space<vmem_shared>> -> memref<96x128xf32, #tpu.memory_space<vmem_shared>>
      %dma_wait3A_89 = arith.constant 0 : i32
      %dma_wait3A_90 = tpu.memref_slice %arg5[%add3A_47, %dma_wait3A_89] : memref<10000x128xf32, #tpu.memory_space<vmem_shared>> -> memref<96x128xf32, #tpu.memory_space<vmem_shared>>
      tpu.wait_dma2 semaphore(%run_scoped3A : memref<!tpu.dma_semaphore, #tpu.memory_space<semaphore_mem>>) src(%arg6 : memref<96x128xf32, #tpu.memory_space<vmem>>) dst(%dma_wait3A_90 : memref<96x128xf32, #tpu.memory_space<vmem_shared>>)
      tpu.yield
    }) : () -> ()
    %add3A_48 = arith.constant 384 : i32
    %add3A_49 = arith.addi %multiple_of3A_39, %add3A_48 : i32
    "tpu.region"() ({
      %run_scoped3A = tpu.sem_alloc : memref<!tpu.dma_semaphore, #tpu.memory_space<semaphore_mem>>
      %dma_start3A_84 = arith.constant 0 : i32
      %dma_start3A_85 = tpu.memref_slice %arg5[%add3A_49, %dma_start3A_84] : memref<10000x128xf32, #tpu.memory_space<vmem_shared>> -> memref<96x128xf32, #tpu.memory_space<vmem_shared>>
      %dma_start3A_86 = arith.constant 0 : i32
      %dma_start3A_87 = tpu.memref_slice %arg5[%add3A_49, %dma_start3A_86] : memref<10000x128xf32, #tpu.memory_space<vmem_shared>> -> memref<96x128xf32, #tpu.memory_space<vmem_shared>>
      tpu.enqueue_dma source(%arg6 : memref<96x128xf32, #tpu.memory_space<vmem>>) target(%dma_start3A_87 : memref<96x128xf32, #tpu.memory_space<vmem_shared>>) target_semaphore(%run_scoped3A : memref<!tpu.dma_semaphore, #tpu.memory_space<semaphore_mem>>)
      %dma_wait3A = arith.constant 0 : i32
      %dma_wait3A_88 = tpu.memref_slice %arg5[%add3A_49, %dma_wait3A] : memref<10000x128xf32, #tpu.memory_space<vmem_shared>> -> memref<96x128xf32, #tpu.memory_space<vmem_shared>>
      %dma_wait3A_89 = arith.constant 0 : i32
      %dma_wait3A_90 = tpu.memref_slice %arg5[%add3A_49, %dma_wait3A_89] : memref<10000x128xf32, #tpu.memory_space<vmem_shared>> -> memref<96x128xf32, #tpu.memory_space<vmem_shared>>
      tpu.wait_dma2 semaphore(%run_scoped3A : memref<!tpu.dma_semaphore, #tpu.memory_space<semaphore_mem>>) src(%arg6 : memref<96x128xf32, #tpu.memory_space<vmem>>) dst(%dma_wait3A_90 : memref<96x128xf32, #tpu.memory_space<vmem_shared>>)
      tpu.yield
    }) : () -> ()
    %add3A_50 = arith.constant 480 : i32
    %add3A_51 = arith.addi %multiple_of3A_39, %add3A_50 : i32
    "tpu.region"() ({
      %run_scoped3A = tpu.sem_alloc : memref<!tpu.dma_semaphore, #tpu.memory_space<semaphore_mem>>
      %dma_start3A_84 = arith.constant 0 : i32
      %dma_start3A_85 = tpu.memref_slice %arg5[%add3A_51, %dma_start3A_84] : memref<10000x128xf32, #tpu.memory_space<vmem_shared>> -> memref<96x128xf32, #tpu.memory_space<vmem_shared>>
      %dma_start3A_86 = arith.constant 0 : i32
      %dma_start3A_87 = tpu.memref_slice %arg5[%add3A_51, %dma_start3A_86] : memref<10000x128xf32, #tpu.memory_space<vmem_shared>> -> memref<96x128xf32, #tpu.memory_space<vmem_shared>>
      tpu.enqueue_dma source(%arg6 : memref<96x128xf32, #tpu.memory_space<vmem>>) target(%dma_start3A_87 : memref<96x128xf32, #tpu.memory_space<vmem_shared>>) target_semaphore(%run_scoped3A : memref<!tpu.dma_semaphore, #tpu.memory_space<semaphore_mem>>)
      %dma_wait3A = arith.constant 0 : i32
      %dma_wait3A_88 = tpu.memref_slice %arg5[%add3A_51, %dma_wait3A] : memref<10000x128xf32, #tpu.memory_space<vmem_shared>> -> memref<96x128xf32, #tpu.memory_space<vmem_shared>>
      %dma_wait3A_89 = arith.constant 0 : i32
      %dma_wait3A_90 = tpu.memref_slice %arg5[%add3A_51, %dma_wait3A_89] : memref<10000x128xf32, #tpu.memory_space<vmem_shared>> -> memref<96x128xf32, #tpu.memory_space<vmem_shared>>
      tpu.wait_dma2 semaphore(%run_scoped3A : memref<!tpu.dma_semaphore, #tpu.memory_space<semaphore_mem>>) src(%arg6 : memref<96x128xf32, #tpu.memory_space<vmem>>) dst(%dma_wait3A_90 : memref<96x128xf32, #tpu.memory_space<vmem_shared>>)
      tpu.yield
    }) : () -> ()
    %add3A_52 = arith.constant 576 : i32
    %add3A_53 = arith.addi %multiple_of3A_39, %add3A_52 : i32
    "tpu.region"() ({
      %run_scoped3A = tpu.sem_alloc : memref<!tpu.dma_semaphore, #tpu.memory_space<semaphore_mem>>
      %dma_start3A_84 = arith.constant 0 : i32
      %dma_start3A_85 = arith.constant 0 : i32
      %dma_start3A_86 = tpu.memref_slice %arg6[%dma_start3A_84, %dma_start3A_85] : memref<96x128xf32, #tpu.memory_space<vmem>> -> memref<48x128xf32, #tpu.memory_space<vmem>>
      %dma_start3A_87 = arith.constant 0 : i32
      %dma_start3A_88 = tpu.memref_slice %arg5[%add3A_53, %dma_start3A_87] : memref<10000x128xf32, #tpu.memory_space<vmem_shared>> -> memref<48x128xf32, #tpu.memory_space<vmem_shared>>
      %dma_start3A_89 = arith.constant 0 : i32
      %dma_start3A_90 = tpu.memref_slice %arg5[%add3A_53, %dma_start3A_89] : memref<10000x128xf32, #tpu.memory_space<vmem_shared>> -> memref<48x128xf32, #tpu.memory_space<vmem_shared>>
      %dma_start3A_91 = arith.constant 0 : i32
      %dma_start3A_92 = arith.constant 0 : i32
      %dma_start3A_93 = tpu.memref_slice %arg6[%dma_start3A_91, %dma_start3A_92] : memref<96x128xf32, #tpu.memory_space<vmem>> -> memref<48x128xf32, #tpu.memory_space<vmem>>
      tpu.enqueue_dma source(%dma_start3A_93 : memref<48x128xf32, #tpu.memory_space<vmem>>) target(%dma_start3A_90 : memref<48x128xf32, #tpu.memory_space<vmem_shared>>) target_semaphore(%run_scoped3A : memref<!tpu.dma_semaphore, #tpu.memory_space<semaphore_mem>>)
      %dma_wait3A = arith.constant 0 : i32
      %dma_wait3A_94 = arith.constant 0 : i32
      %dma_wait3A_95 = tpu.memref_slice %arg6[%dma_wait3A, %dma_wait3A_94] : memref<96x128xf32, #tpu.memory_space<vmem>> -> memref<48x128xf32, #tpu.memory_space<vmem>>
      %dma_wait3A_96 = arith.constant 0 : i32
      %dma_wait3A_97 = tpu.memref_slice %arg5[%add3A_53, %dma_wait3A_96] : memref<10000x128xf32, #tpu.memory_space<vmem_shared>> -> memref<48x128xf32, #tpu.memory_space<vmem_shared>>
      %dma_wait3A_98 = arith.constant 0 : i32
      %dma_wait3A_99 = tpu.memref_slice %arg5[%add3A_53, %dma_wait3A_98] : memref<10000x128xf32, #tpu.memory_space<vmem_shared>> -> memref<48x128xf32, #tpu.memory_space<vmem_shared>>
      %dma_wait3A_100 = arith.constant 0 : i32
      %dma_wait3A_101 = arith.constant 0 : i32
      %dma_wait3A_102 = tpu.memref_slice %arg6[%dma_wait3A_100, %dma_wait3A_101] : memref<96x128xf32, #tpu.memory_space<vmem>> -> memref<48x128xf32, #tpu.memory_space<vmem>>
      tpu.wait_dma2 semaphore(%run_scoped3A : memref<!tpu.dma_semaphore, #tpu.memory_space<semaphore_mem>>) src(%dma_wait3A_102 : memref<48x128xf32, #tpu.memory_space<vmem>>) dst(%dma_wait3A_99 : memref<48x128xf32, #tpu.memory_space<vmem_shared>>)
      tpu.yield
    }) : () -> ()
    %eq3A = arith.constant 15 : i32
    %eq3A_54 = arith.cmpi eq, %arg1, %eq3A : i32
    %convert_element_type3A = arith.extui %eq3A_54 : i1 to i32
    %cond3A = arith.constant 0 : i32
    %cond3A_55 = arith.cmpi ne, %convert_element_type3A, %cond3A : i32
    scf.if %cond3A_55 {
      "tpu.region"() ({
        %run_scoped3A = tpu.sem_alloc : memref<!tpu.dma_semaphore, #tpu.memory_space<semaphore_mem>>
        %dma_start3A_84 = arith.constant 0 : i32
        %dma_start3A_85 = arith.constant 0 : i32
        %dma_start3A_86 = tpu.memref_slice %arg6[%dma_start3A_84, %dma_start3A_85] : memref<96x128xf32, #tpu.memory_space<vmem>> -> memref<16x128xf32, #tpu.memory_space<vmem>>
        %dma_start3A_87 = arith.constant 9984 : i32
        %dma_start3A_88 = arith.constant 0 : i32
        %dma_start3A_89 = tpu.memref_slice %arg5[%dma_start3A_87, %dma_start3A_88] : memref<10000x128xf32, #tpu.memory_space<vmem_shared>> -> memref<16x128xf32, #tpu.memory_space<vmem_shared>>
        %dma_start3A_90 = arith.constant 9984 : i32
        %dma_start3A_91 = arith.constant 0 : i32
        %dma_start3A_92 = tpu.memref_slice %arg5[%dma_start3A_90, %dma_start3A_91] : memref<10000x128xf32, #tpu.memory_space<vmem_shared>> -> memref<16x128xf32, #tpu.memory_space<vmem_shared>>
        %dma_start3A_93 = arith.constant 0 : i32
        %dma_start3A_94 = arith.constant 0 : i32
        %dma_start3A_95 = tpu.memref_slice %arg6[%dma_start3A_93, %dma_start3A_94] : memref<96x128xf32, #tpu.memory_space<vmem>> -> memref<16x128xf32, #tpu.memory_space<vmem>>
        tpu.enqueue_dma source(%dma_start3A_95 : memref<16x128xf32, #tpu.memory_space<vmem>>) target(%dma_start3A_92 : memref<16x128xf32, #tpu.memory_space<vmem_shared>>) target_semaphore(%run_scoped3A : memref<!tpu.dma_semaphore, #tpu.memory_space<semaphore_mem>>)
        %dma_wait3A = arith.constant 0 : i32
        %dma_wait3A_96 = arith.constant 0 : i32
        %dma_wait3A_97 = tpu.memref_slice %arg6[%dma_wait3A, %dma_wait3A_96] : memref<96x128xf32, #tpu.memory_space<vmem>> -> memref<16x128xf32, #tpu.memory_space<vmem>>
        %dma_wait3A_98 = arith.constant 9984 : i32
        %dma_wait3A_99 = arith.constant 0 : i32
        %dma_wait3A_100 = tpu.memref_slice %arg5[%dma_wait3A_98, %dma_wait3A_99] : memref<10000x128xf32, #tpu.memory_space<vmem_shared>> -> memref<16x128xf32, #tpu.memory_space<vmem_shared>>
        %dma_wait3A_101 = arith.constant 9984 : i32
        %dma_wait3A_102 = arith.constant 0 : i32
        %dma_wait3A_103 = tpu.memref_slice %arg5[%dma_wait3A_101, %dma_wait3A_102] : memref<10000x128xf32, #tpu.memory_space<vmem_shared>> -> memref<16x128xf32, #tpu.memory_space<vmem_shared>>
        %dma_wait3A_104 = arith.constant 0 : i32
        %dma_wait3A_105 = arith.constant 0 : i32
        %dma_wait3A_106 = tpu.memref_slice %arg6[%dma_wait3A_104, %dma_wait3A_105] : memref<96x128xf32, #tpu.memory_space<vmem>> -> memref<16x128xf32, #tpu.memory_space<vmem>>
        tpu.wait_dma2 semaphore(%run_scoped3A : memref<!tpu.dma_semaphore, #tpu.memory_space<semaphore_mem>>) src(%dma_wait3A_106 : memref<16x128xf32, #tpu.memory_space<vmem>>) dst(%dma_wait3A_103 : memref<16x128xf32, #tpu.memory_space<vmem_shared>>)
        tpu.yield
      }) : () -> ()
    } else {
    }
    %mul3A_56 = arith.constant 10000 : i32
    %mul3A_57 = arith.muli %add3A, %mul3A_56 : i32
    %add3A_58 = arith.constant 0 : i32
    %add3A_59 = arith.addi %mul3A_57, %add3A_58 : i32
    %multiple_of3A_60 = tpu.assume_multiple %add3A_59, 8 : i32
    %dma_start3A_61 = tpu.memref_slice %arg3[%multiple_of3A_60] : memref<320000xi32, #tpu.memory_space<hbm>> -> memref<96xi32, #tpu.memory_space<hbm>>
    %dma_start3A_62 = tpu.memref_slice %arg3[%multiple_of3A_60] : memref<320000xi32, #tpu.memory_space<hbm>> -> memref<96xi32, #tpu.memory_space<hbm>>
    tpu.enqueue_dma source(%dma_start3A_62 : memref<96xi32, #tpu.memory_space<hbm>>) target(%arg10 : memref<96xi32, #tpu.memory_space<vmem>>) target_semaphore(%arg19 : memref<!tpu.dma_semaphore, #tpu.memory_space<semaphore_mem>>)
    %dma_start3A_63 = arith.constant 0 : i32
    %dma_start3A_64 = tpu.memref_slice %arg2[%multiple_of3A_60, %dma_start3A_63] : memref<320000x128xf32, #tpu.memory_space<hbm>> -> memref<96x128xf32, #tpu.memory_space<hbm>>
    %dma_start3A_65 = arith.constant 0 : i32
    %dma_start3A_66 = tpu.memref_slice %arg2[%multiple_of3A_60, %dma_start3A_65] : memref<320000x128xf32, #tpu.memory_space<hbm>> -> memref<96x128xf32, #tpu.memory_space<hbm>>
    tpu.enqueue_dma source(%dma_start3A_66 : memref<96x128xf32, #tpu.memory_space<hbm>>) target(%arg6 : memref<96x128xf32, #tpu.memory_space<vmem>>) target_semaphore(%arg15 : memref<!tpu.dma_semaphore, #tpu.memory_space<semaphore_mem>>)
    %barrier3A = arith.constant 0 : index
    tpu.barrier barrier_id(%barrier3A)
    %scan3A_67 = arith.constant 0 : i32
    %scan3A_68 = arith.constant 0 : i32
    %scan3A_69 = arith.constant 26 : i32
    %scan3A_70 = arith.addi %scan3A_68, %scan3A_69 : i32
    %scan3A_71 = arith.constant 1 : i32
    scf.for %scan3A_84 = %scan3A_68 to %scan3A_70 step %scan3A_71  : i32 {
      %mul3A_85 = arith.constant 4 : i32
      %mul3A_86 = arith.muli %scan3A_84, %mul3A_85 : i32
      %add3A_87 = arith.constant 0 : i32
      %add3A_88 = arith.addi %mul3A_86, %add3A_87 : i32
      %dma_wait3A = arith.constant 0 : i32
      %dma_wait3A_89 = tpu.memref_slice %arg3[%dma_wait3A] : memref<320000xi32, #tpu.memory_space<hbm>> -> memref<96xi32, #tpu.memory_space<hbm>>
      %dma_wait3A_90 = arith.constant 0 : i32
      %dma_wait3A_91 = tpu.memref_slice %arg3[%dma_wait3A_90] : memref<320000xi32, #tpu.memory_space<hbm>> -> memref<96xi32, #tpu.memory_space<hbm>>
      tpu.wait_dma2 semaphore(%arg19 : memref<!tpu.dma_semaphore, #tpu.memory_space<semaphore_mem>>) src(%dma_wait3A_91 : memref<96xi32, #tpu.memory_space<hbm>>) dst(%arg10 : memref<96xi32, #tpu.memory_space<vmem>>)
      %dma_wait3A_92 = arith.constant 0 : i32
      %dma_wait3A_93 = arith.constant 0 : i32
      %dma_wait3A_94 = tpu.memref_slice %arg2[%dma_wait3A_92, %dma_wait3A_93] : memref<320000x128xf32, #tpu.memory_space<hbm>> -> memref<96x128xf32, #tpu.memory_space<hbm>>
      %dma_wait3A_95 = arith.constant 0 : i32
      %dma_wait3A_96 = arith.constant 0 : i32
      %dma_wait3A_97 = tpu.memref_slice %arg2[%dma_wait3A_95, %dma_wait3A_96] : memref<320000x128xf32, #tpu.memory_space<hbm>> -> memref<96x128xf32, #tpu.memory_space<hbm>>
      tpu.wait_dma2 semaphore(%arg15 : memref<!tpu.dma_semaphore, #tpu.memory_space<semaphore_mem>>) src(%dma_wait3A_97 : memref<96x128xf32, #tpu.memory_space<hbm>>) dst(%arg6 : memref<96x128xf32, #tpu.memory_space<vmem>>)
      "tpu.region"() ({
        %run_scoped3A = tpu.sem_alloc : memref<!tpu.dma_semaphore, #tpu.memory_space<semaphore_mem>>
        %dma_start3A_159 = arith.constant 0 : i32
        %dma_start3A_160 = arith.constant 0 : i32
        %dma_start3A_161 = tpu.memref_slice %arg5[%dma_start3A_159, %dma_start3A_160] : memref<10000x128xf32, #tpu.memory_space<vmem_shared>> -> memref<10000x128xf32, #tpu.memory_space<vmem_shared>>
        tpu.enqueue_indirect_dma source(%arg6 : memref<96x128xf32, #tpu.memory_space<vmem>>) target(%dma_start3A_161 : memref<10000x128xf32, #tpu.memory_space<vmem_shared>>) offsets(%arg10 : memref<96xi32, #tpu.memory_space<vmem>>) semaphore(%run_scoped3A : memref<!tpu.dma_semaphore, #tpu.memory_space<semaphore_mem>>) {add = true}
        %dma_wait3A_162 = arith.constant 0 : i32
        %dma_wait3A_163 = arith.constant 0 : i32
        %dma_wait3A_164 = tpu.memref_slice %arg5[%dma_wait3A_162, %dma_wait3A_163] : memref<10000x128xf32, #tpu.memory_space<vmem_shared>> -> memref<10000x128xf32, #tpu.memory_space<vmem_shared>>
        tpu.wait_indirect_dma semaphore(%run_scoped3A : memref<!tpu.dma_semaphore, #tpu.memory_space<semaphore_mem>>) src(%arg6 : memref<96x128xf32, #tpu.memory_space<vmem>>) dst(%dma_wait3A_164 : memref<10000x128xf32, #tpu.memory_space<vmem_shared>>)
        tpu.yield
      }) : () -> ()
      %lt3A = arith.constant 25 : i32
      %lt3A_98 = arith.cmpi slt, %scan3A_84, %lt3A : i32
      %convert_element_type3A_99 = arith.extui %lt3A_98 : i1 to i32
      %cond3A_100 = arith.constant 0 : i32
      %cond3A_101 = arith.cmpi ne, %convert_element_type3A_99, %cond3A_100 : i32
      scf.if %cond3A_101 {
        %add3A_159 = arith.constant 4 : i32
        %add3A_160 = arith.addi %add3A_88, %add3A_159 : i32
        %mul3A_161 = arith.constant 10000 : i32
        %mul3A_162 = arith.muli %add3A, %mul3A_161 : i32
        %mul3A_163 = arith.constant 96 : i32
        %mul3A_164 = arith.muli %add3A_160, %mul3A_163 : i32
        %add3A_165 = arith.addi %mul3A_162, %mul3A_164 : i32
        %multiple_of3A_166 = tpu.assume_multiple %add3A_165, 8 : i32
        %dma_start3A_167 = tpu.memref_slice %arg3[%multiple_of3A_166] : memref<320000xi32, #tpu.memory_space<hbm>> -> memref<96xi32, #tpu.memory_space<hbm>>
        %dma_start3A_168 = tpu.memref_slice %arg3[%multiple_of3A_166] : memref<320000xi32, #tpu.memory_space<hbm>> -> memref<96xi32, #tpu.memory_space<hbm>>
        tpu.enqueue_dma source(%dma_start3A_168 : memref<96xi32, #tpu.memory_space<hbm>>) target(%arg10 : memref<96xi32, #tpu.memory_space<vmem>>) target_semaphore(%arg19 : memref<!tpu.dma_semaphore, #tpu.memory_space<semaphore_mem>>)
        %dma_start3A_169 = arith.constant 0 : i32
        %dma_start3A_170 = tpu.memref_slice %arg2[%multiple_of3A_166, %dma_start3A_169] : memref<320000x128xf32, #tpu.memory_space<hbm>> -> memref<96x128xf32, #tpu.memory_space<hbm>>
        %dma_start3A_171 = arith.constant 0 : i32
        %dma_start3A_172 = tpu.memref_slice %arg2[%multiple_of3A_166, %dma_start3A_171] : memref<320000x128xf32, #tpu.memory_space<hbm>> -> memref<96x128xf32, #tpu.memory_space<hbm>>
        tpu.enqueue_dma source(%dma_start3A_172 : memref<96x128xf32, #tpu.memory_space<hbm>>) target(%arg6 : memref<96x128xf32, #tpu.memory_space<vmem>>) target_semaphore(%arg15 : memref<!tpu.dma_semaphore, #tpu.memory_space<semaphore_mem>>)
      } else {
      }
      %mul3A_102 = arith.constant 4 : i32
      %mul3A_103 = arith.muli %scan3A_84, %mul3A_102 : i32
      %add3A_104 = arith.constant 1 : i32
      %add3A_105 = arith.addi %mul3A_103, %add3A_104 : i32
      %dma_wait3A_106 = arith.constant 0 : i32
      %dma_wait3A_107 = tpu.memref_slice %arg3[%dma_wait3A_106] : memref<320000xi32, #tpu.memory_space<hbm>> -> memref<96xi32, #tpu.memory_space<hbm>>
      %dma_wait3A_108 = arith.constant 0 : i32
      %dma_wait3A_109 = tpu.memref_slice %arg3[%dma_wait3A_108] : memref<320000xi32, #tpu.memory_space<hbm>> -> memref<96xi32, #tpu.memory_space<hbm>>
      tpu.wait_dma2 semaphore(%arg20 : memref<!tpu.dma_semaphore, #tpu.memory_space<semaphore_mem>>) src(%dma_wait3A_109 : memref<96xi32, #tpu.memory_space<hbm>>) dst(%arg11 : memref<96xi32, #tpu.memory_space<vmem>>)
      %dma_wait3A_110 = arith.constant 0 : i32
      %dma_wait3A_111 = arith.constant 0 : i32
      %dma_wait3A_112 = tpu.memref_slice %arg2[%dma_wait3A_110, %dma_wait3A_111] : memref<320000x128xf32, #tpu.memory_space<hbm>> -> memref<96x128xf32, #tpu.memory_space<hbm>>
      %dma_wait3A_113 = arith.constant 0 : i32
      %dma_wait3A_114 = arith.constant 0 : i32
      %dma_wait3A_115 = tpu.memref_slice %arg2[%dma_wait3A_113, %dma_wait3A_114] : memref<320000x128xf32, #tpu.memory_space<hbm>> -> memref<96x128xf32, #tpu.memory_space<hbm>>
      tpu.wait_dma2 semaphore(%arg16 : memref<!tpu.dma_semaphore, #tpu.memory_space<semaphore_mem>>) src(%dma_wait3A_115 : memref<96x128xf32, #tpu.memory_space<hbm>>) dst(%arg7 : memref<96x128xf32, #tpu.memory_space<vmem>>)
      "tpu.region"() ({
        %run_scoped3A = tpu.sem_alloc : memref<!tpu.dma_semaphore, #tpu.memory_space<semaphore_mem>>
        %dma_start3A_159 = arith.constant 0 : i32
        %dma_start3A_160 = arith.constant 0 : i32
        %dma_start3A_161 = tpu.memref_slice %arg5[%dma_start3A_159, %dma_start3A_160] : memref<10000x128xf32, #tpu.memory_space<vmem_shared>> -> memref<10000x128xf32, #tpu.memory_space<vmem_shared>>
        tpu.enqueue_indirect_dma source(%arg7 : memref<96x128xf32, #tpu.memory_space<vmem>>) target(%dma_start3A_161 : memref<10000x128xf32, #tpu.memory_space<vmem_shared>>) offsets(%arg11 : memref<96xi32, #tpu.memory_space<vmem>>) semaphore(%run_scoped3A : memref<!tpu.dma_semaphore, #tpu.memory_space<semaphore_mem>>) {add = true}
        %dma_wait3A_162 = arith.constant 0 : i32
        %dma_wait3A_163 = arith.constant 0 : i32
        %dma_wait3A_164 = tpu.memref_slice %arg5[%dma_wait3A_162, %dma_wait3A_163] : memref<10000x128xf32, #tpu.memory_space<vmem_shared>> -> memref<10000x128xf32, #tpu.memory_space<vmem_shared>>
        tpu.wait_indirect_dma semaphore(%run_scoped3A : memref<!tpu.dma_semaphore, #tpu.memory_space<semaphore_mem>>) src(%arg7 : memref<96x128xf32, #tpu.memory_space<vmem>>) dst(%dma_wait3A_164 : memref<10000x128xf32, #tpu.memory_space<vmem_shared>>)
        tpu.yield
      }) : () -> ()
      %lt3A_116 = arith.constant 25 : i32
      %lt3A_117 = arith.cmpi slt, %scan3A_84, %lt3A_116 : i32
      %convert_element_type3A_118 = arith.extui %lt3A_117 : i1 to i32
      %cond3A_119 = arith.constant 0 : i32
      %cond3A_120 = arith.cmpi ne, %convert_element_type3A_118, %cond3A_119 : i32
      scf.if %cond3A_120 {
        %add3A_159 = arith.constant 4 : i32
        %add3A_160 = arith.addi %add3A_105, %add3A_159 : i32
        %mul3A_161 = arith.constant 10000 : i32
        %mul3A_162 = arith.muli %add3A, %mul3A_161 : i32
        %mul3A_163 = arith.constant 96 : i32
        %mul3A_164 = arith.muli %add3A_160, %mul3A_163 : i32
        %add3A_165 = arith.addi %mul3A_162, %mul3A_164 : i32
        %multiple_of3A_166 = tpu.assume_multiple %add3A_165, 8 : i32
        %dma_start3A_167 = tpu.memref_slice %arg3[%multiple_of3A_166] : memref<320000xi32, #tpu.memory_space<hbm>> -> memref<96xi32, #tpu.memory_space<hbm>>
        %dma_start3A_168 = tpu.memref_slice %arg3[%multiple_of3A_166] : memref<320000xi32, #tpu.memory_space<hbm>> -> memref<96xi32, #tpu.memory_space<hbm>>
        tpu.enqueue_dma source(%dma_start3A_168 : memref<96xi32, #tpu.memory_space<hbm>>) target(%arg11 : memref<96xi32, #tpu.memory_space<vmem>>) target_semaphore(%arg20 : memref<!tpu.dma_semaphore, #tpu.memory_space<semaphore_mem>>)
        %dma_start3A_169 = arith.constant 0 : i32
        %dma_start3A_170 = tpu.memref_slice %arg2[%multiple_of3A_166, %dma_start3A_169] : memref<320000x128xf32, #tpu.memory_space<hbm>> -> memref<96x128xf32, #tpu.memory_space<hbm>>
        %dma_start3A_171 = arith.constant 0 : i32
        %dma_start3A_172 = tpu.memref_slice %arg2[%multiple_of3A_166, %dma_start3A_171] : memref<320000x128xf32, #tpu.memory_space<hbm>> -> memref<96x128xf32, #tpu.memory_space<hbm>>
        tpu.enqueue_dma source(%dma_start3A_172 : memref<96x128xf32, #tpu.memory_space<hbm>>) target(%arg7 : memref<96x128xf32, #tpu.memory_space<vmem>>) target_semaphore(%arg16 : memref<!tpu.dma_semaphore, #tpu.memory_space<semaphore_mem>>)
      } else {
      }
      %mul3A_121 = arith.constant 4 : i32
      %mul3A_122 = arith.muli %scan3A_84, %mul3A_121 : i32
      %add3A_123 = arith.constant 2 : i32
      %add3A_124 = arith.addi %mul3A_122, %add3A_123 : i32
      %dma_wait3A_125 = arith.constant 0 : i32
      %dma_wait3A_126 = tpu.memref_slice %arg3[%dma_wait3A_125] : memref<320000xi32, #tpu.memory_space<hbm>> -> memref<96xi32, #tpu.memory_space<hbm>>
      %dma_wait3A_127 = arith.constant 0 : i32
      %dma_wait3A_128 = tpu.memref_slice %arg3[%dma_wait3A_127] : memref<320000xi32, #tpu.memory_space<hbm>> -> memref<96xi32, #tpu.memory_space<hbm>>
      tpu.wait_dma2 semaphore(%arg21 : memref<!tpu.dma_semaphore, #tpu.memory_space<semaphore_mem>>) src(%dma_wait3A_128 : memref<96xi32, #tpu.memory_space<hbm>>) dst(%arg12 : memref<96xi32, #tpu.memory_space<vmem>>)
      %dma_wait3A_129 = arith.constant 0 : i32
      %dma_wait3A_130 = arith.constant 0 : i32
      %dma_wait3A_131 = tpu.memref_slice %arg2[%dma_wait3A_129, %dma_wait3A_130] : memref<320000x128xf32, #tpu.memory_space<hbm>> -> memref<96x128xf32, #tpu.memory_space<hbm>>
      %dma_wait3A_132 = arith.constant 0 : i32
      %dma_wait3A_133 = arith.constant 0 : i32
      %dma_wait3A_134 = tpu.memref_slice %arg2[%dma_wait3A_132, %dma_wait3A_133] : memref<320000x128xf32, #tpu.memory_space<hbm>> -> memref<96x128xf32, #tpu.memory_space<hbm>>
      tpu.wait_dma2 semaphore(%arg17 : memref<!tpu.dma_semaphore, #tpu.memory_space<semaphore_mem>>) src(%dma_wait3A_134 : memref<96x128xf32, #tpu.memory_space<hbm>>) dst(%arg8 : memref<96x128xf32, #tpu.memory_space<vmem>>)
      "tpu.region"() ({
        %run_scoped3A = tpu.sem_alloc : memref<!tpu.dma_semaphore, #tpu.memory_space<semaphore_mem>>
        %dma_start3A_159 = arith.constant 0 : i32
        %dma_start3A_160 = arith.constant 0 : i32
        %dma_start3A_161 = tpu.memref_slice %arg5[%dma_start3A_159, %dma_start3A_160] : memref<10000x128xf32, #tpu.memory_space<vmem_shared>> -> memref<10000x128xf32, #tpu.memory_space<vmem_shared>>
        tpu.enqueue_indirect_dma source(%arg8 : memref<96x128xf32, #tpu.memory_space<vmem>>) target(%dma_start3A_161 : memref<10000x128xf32, #tpu.memory_space<vmem_shared>>) offsets(%arg12 : memref<96xi32, #tpu.memory_space<vmem>>) semaphore(%run_scoped3A : memref<!tpu.dma_semaphore, #tpu.memory_space<semaphore_mem>>) {add = true}
        %dma_wait3A_162 = arith.constant 0 : i32
        %dma_wait3A_163 = arith.constant 0 : i32
        %dma_wait3A_164 = tpu.memref_slice %arg5[%dma_wait3A_162, %dma_wait3A_163] : memref<10000x128xf32, #tpu.memory_space<vmem_shared>> -> memref<10000x128xf32, #tpu.memory_space<vmem_shared>>
        tpu.wait_indirect_dma semaphore(%run_scoped3A : memref<!tpu.dma_semaphore, #tpu.memory_space<semaphore_mem>>) src(%arg8 : memref<96x128xf32, #tpu.memory_space<vmem>>) dst(%dma_wait3A_164 : memref<10000x128xf32, #tpu.memory_space<vmem_shared>>)
        tpu.yield
      }) : () -> ()
      %lt3A_135 = arith.constant 25 : i32
      %lt3A_136 = arith.cmpi slt, %scan3A_84, %lt3A_135 : i32
      %convert_element_type3A_137 = arith.extui %lt3A_136 : i1 to i32
      %cond3A_138 = arith.constant 0 : i32
      %cond3A_139 = arith.cmpi ne, %convert_element_type3A_137, %cond3A_138 : i32
      scf.if %cond3A_139 {
        %add3A_159 = arith.constant 4 : i32
        %add3A_160 = arith.addi %add3A_124, %add3A_159 : i32
        %mul3A_161 = arith.constant 10000 : i32
        %mul3A_162 = arith.muli %add3A, %mul3A_161 : i32
        %mul3A_163 = arith.constant 96 : i32
        %mul3A_164 = arith.muli %add3A_160, %mul3A_163 : i32
        %add3A_165 = arith.addi %mul3A_162, %mul3A_164 : i32
        %multiple_of3A_166 = tpu.assume_multiple %add3A_165, 8 : i32
        %dma_start3A_167 = tpu.memref_slice %arg3[%multiple_of3A_166] : memref<320000xi32, #tpu.memory_space<hbm>> -> memref<96xi32, #tpu.memory_space<hbm>>
        %dma_start3A_168 = tpu.memref_slice %arg3[%multiple_of3A_166] : memref<320000xi32, #tpu.memory_space<hbm>> -> memref<96xi32, #tpu.memory_space<hbm>>
        tpu.enqueue_dma source(%dma_start3A_168 : memref<96xi32, #tpu.memory_space<hbm>>) target(%arg12 : memref<96xi32, #tpu.memory_space<vmem>>) target_semaphore(%arg21 : memref<!tpu.dma_semaphore, #tpu.memory_space<semaphore_mem>>)
        %dma_start3A_169 = arith.constant 0 : i32
        %dma_start3A_170 = tpu.memref_slice %arg2[%multiple_of3A_166, %dma_start3A_169] : memref<320000x128xf32, #tpu.memory_space<hbm>> -> memref<96x128xf32, #tpu.memory_space<hbm>>
        %dma_start3A_171 = arith.constant 0 : i32
        %dma_start3A_172 = tpu.memref_slice %arg2[%multiple_of3A_166, %dma_start3A_171] : memref<320000x128xf32, #tpu.memory_space<hbm>> -> memref<96x128xf32, #tpu.memory_space<hbm>>
        tpu.enqueue_dma source(%dma_start3A_172 : memref<96x128xf32, #tpu.memory_space<hbm>>) target(%arg8 : memref<96x128xf32, #tpu.memory_space<vmem>>) target_semaphore(%arg17 : memref<!tpu.dma_semaphore, #tpu.memory_space<semaphore_mem>>)
      } else {
      }
      %mul3A_140 = arith.constant 4 : i32
      %mul3A_141 = arith.muli %scan3A_84, %mul3A_140 : i32
      %add3A_142 = arith.constant 3 : i32
      %add3A_143 = arith.addi %mul3A_141, %add3A_142 : i32
      %dma_wait3A_144 = arith.constant 0 : i32
      %dma_wait3A_145 = tpu.memref_slice %arg3[%dma_wait3A_144] : memref<320000xi32, #tpu.memory_space<hbm>> -> memref<96xi32, #tpu.memory_space<hbm>>
      %dma_wait3A_146 = arith.constant 0 : i32
      %dma_wait3A_147 = tpu.memref_slice %arg3[%dma_wait3A_146] : memref<320000xi32, #tpu.memory_space<hbm>> -> memref<96xi32, #tpu.memory_space<hbm>>
      tpu.wait_dma2 semaphore(%arg22 : memref<!tpu.dma_semaphore, #tpu.memory_space<semaphore_mem>>) src(%dma_wait3A_147 : memref<96xi32, #tpu.memory_space<hbm>>) dst(%arg13 : memref<96xi32, #tpu.memory_space<vmem>>)
      %dma_wait3A_148 = arith.constant 0 : i32
      %dma_wait3A_149 = arith.constant 0 : i32
      %dma_wait3A_150 = tpu.memref_slice %arg2[%dma_wait3A_148, %dma_wait3A_149] : memref<320000x128xf32, #tpu.memory_space<hbm>> -> memref<96x128xf32, #tpu.memory_space<hbm>>
      %dma_wait3A_151 = arith.constant 0 : i32
      %dma_wait3A_152 = arith.constant 0 : i32
      %dma_wait3A_153 = tpu.memref_slice %arg2[%dma_wait3A_151, %dma_wait3A_152] : memref<320000x128xf32, #tpu.memory_space<hbm>> -> memref<96x128xf32, #tpu.memory_space<hbm>>
      tpu.wait_dma2 semaphore(%arg18 : memref<!tpu.dma_semaphore, #tpu.memory_space<semaphore_mem>>) src(%dma_wait3A_153 : memref<96x128xf32, #tpu.memory_space<hbm>>) dst(%arg9 : memref<96x128xf32, #tpu.memory_space<vmem>>)
      "tpu.region"() ({
        %run_scoped3A = tpu.sem_alloc : memref<!tpu.dma_semaphore, #tpu.memory_space<semaphore_mem>>
        %dma_start3A_159 = arith.constant 0 : i32
        %dma_start3A_160 = arith.constant 0 : i32
        %dma_start3A_161 = tpu.memref_slice %arg5[%dma_start3A_159, %dma_start3A_160] : memref<10000x128xf32, #tpu.memory_space<vmem_shared>> -> memref<10000x128xf32, #tpu.memory_space<vmem_shared>>
        tpu.enqueue_indirect_dma source(%arg9 : memref<96x128xf32, #tpu.memory_space<vmem>>) target(%dma_start3A_161 : memref<10000x128xf32, #tpu.memory_space<vmem_shared>>) offsets(%arg13 : memref<96xi32, #tpu.memory_space<vmem>>) semaphore(%run_scoped3A : memref<!tpu.dma_semaphore, #tpu.memory_space<semaphore_mem>>) {add = true}
        %dma_wait3A_162 = arith.constant 0 : i32
        %dma_wait3A_163 = arith.constant 0 : i32
        %dma_wait3A_164 = tpu.memref_slice %arg5[%dma_wait3A_162, %dma_wait3A_163] : memref<10000x128xf32, #tpu.memory_space<vmem_shared>> -> memref<10000x128xf32, #tpu.memory_space<vmem_shared>>
        tpu.wait_indirect_dma semaphore(%run_scoped3A : memref<!tpu.dma_semaphore, #tpu.memory_space<semaphore_mem>>) src(%arg9 : memref<96x128xf32, #tpu.memory_space<vmem>>) dst(%dma_wait3A_164 : memref<10000x128xf32, #tpu.memory_space<vmem_shared>>)
        tpu.yield
      }) : () -> ()
      %lt3A_154 = arith.constant 25 : i32
      %lt3A_155 = arith.cmpi slt, %scan3A_84, %lt3A_154 : i32
      %convert_element_type3A_156 = arith.extui %lt3A_155 : i1 to i32
      %cond3A_157 = arith.constant 0 : i32
      %cond3A_158 = arith.cmpi ne, %convert_element_type3A_156, %cond3A_157 : i32
      scf.if %cond3A_158 {
        %add3A_159 = arith.constant 4 : i32
        %add3A_160 = arith.addi %add3A_143, %add3A_159 : i32
        %mul3A_161 = arith.constant 10000 : i32
        %mul3A_162 = arith.muli %add3A, %mul3A_161 : i32
        %mul3A_163 = arith.constant 96 : i32
        %mul3A_164 = arith.muli %add3A_160, %mul3A_163 : i32
        %add3A_165 = arith.addi %mul3A_162, %mul3A_164 : i32
        %multiple_of3A_166 = tpu.assume_multiple %add3A_165, 8 : i32
        %dma_start3A_167 = tpu.memref_slice %arg3[%multiple_of3A_166] : memref<320000xi32, #tpu.memory_space<hbm>> -> memref<96xi32, #tpu.memory_space<hbm>>
        %dma_start3A_168 = tpu.memref_slice %arg3[%multiple_of3A_166] : memref<320000xi32, #tpu.memory_space<hbm>> -> memref<96xi32, #tpu.memory_space<hbm>>
        tpu.enqueue_dma source(%dma_start3A_168 : memref<96xi32, #tpu.memory_space<hbm>>) target(%arg13 : memref<96xi32, #tpu.memory_space<vmem>>) target_semaphore(%arg22 : memref<!tpu.dma_semaphore, #tpu.memory_space<semaphore_mem>>)
        %dma_start3A_169 = arith.constant 0 : i32
        %dma_start3A_170 = tpu.memref_slice %arg2[%multiple_of3A_166, %dma_start3A_169] : memref<320000x128xf32, #tpu.memory_space<hbm>> -> memref<96x128xf32, #tpu.memory_space<hbm>>
        %dma_start3A_171 = arith.constant 0 : i32
        %dma_start3A_172 = tpu.memref_slice %arg2[%multiple_of3A_166, %dma_start3A_171] : memref<320000x128xf32, #tpu.memory_space<hbm>> -> memref<96x128xf32, #tpu.memory_space<hbm>>
        tpu.enqueue_dma source(%dma_start3A_172 : memref<96x128xf32, #tpu.memory_space<hbm>>) target(%arg9 : memref<96x128xf32, #tpu.memory_space<vmem>>) target_semaphore(%arg18 : memref<!tpu.dma_semaphore, #tpu.memory_space<semaphore_mem>>)
      } else {
      }
    }
    %scan3A_72 = arith.constant 26 : i32
    %mul3A_73 = arith.constant 10000 : i32
    %mul3A_74 = arith.muli %add3A, %mul3A_73 : i32
    %add3A_75 = arith.constant 9984 : i32
    %add3A_76 = arith.addi %mul3A_74, %add3A_75 : i32
    %multiple_of3A_77 = tpu.assume_multiple %add3A_76, 8 : i32
    "tpu.region"() ({
      %run_scoped3A = tpu.sem_alloc : memref<!tpu.dma_semaphore, #tpu.memory_space<semaphore_mem>>
      %dma_start3A_84 = tpu.memref_slice %arg3[%multiple_of3A_77] : memref<320000xi32, #tpu.memory_space<hbm>> -> memref<16xi32, #tpu.memory_space<hbm>>
      %dma_start3A_85 = tpu.memref_slice %arg3[%multiple_of3A_77] : memref<320000xi32, #tpu.memory_space<hbm>> -> memref<16xi32, #tpu.memory_space<hbm>>
      tpu.enqueue_dma source(%dma_start3A_85 : memref<16xi32, #tpu.memory_space<hbm>>) target(%arg14 : memref<16xi32, #tpu.memory_space<vmem>>) target_semaphore(%run_scoped3A : memref<!tpu.dma_semaphore, #tpu.memory_space<semaphore_mem>>)
      %dma_wait3A = tpu.memref_slice %arg3[%multiple_of3A_77] : memref<320000xi32, #tpu.memory_space<hbm>> -> memref<16xi32, #tpu.memory_space<hbm>>
      %dma_wait3A_86 = tpu.memref_slice %arg3[%multiple_of3A_77] : memref<320000xi32, #tpu.memory_space<hbm>> -> memref<16xi32, #tpu.memory_space<hbm>>
      tpu.wait_dma2 semaphore(%run_scoped3A : memref<!tpu.dma_semaphore, #tpu.memory_space<semaphore_mem>>) src(%dma_wait3A_86 : memref<16xi32, #tpu.memory_space<hbm>>) dst(%arg14 : memref<16xi32, #tpu.memory_space<vmem>>)
      tpu.yield
    }) : () -> ()
    "tpu.region"() ({
      %run_scoped3A = tpu.sem_alloc : memref<!tpu.dma_semaphore, #tpu.memory_space<semaphore_mem>>
      %dma_start3A_84 = arith.constant 0 : i32
      %dma_start3A_85 = arith.constant 0 : i32
      %dma_start3A_86 = tpu.memref_slice %arg6[%dma_start3A_84, %dma_start3A_85] : memref<96x128xf32, #tpu.memory_space<vmem>> -> memref<16x128xf32, #tpu.memory_space<vmem>>
      %dma_start3A_87 = arith.constant 0 : i32
      %dma_start3A_88 = tpu.memref_slice %arg2[%multiple_of3A_77, %dma_start3A_87] : memref<320000x128xf32, #tpu.memory_space<hbm>> -> memref<16x128xf32, #tpu.memory_space<hbm>>
      %dma_start3A_89 = arith.constant 0 : i32
      %dma_start3A_90 = arith.constant 0 : i32
      %dma_start3A_91 = tpu.memref_slice %arg6[%dma_start3A_89, %dma_start3A_90] : memref<96x128xf32, #tpu.memory_space<vmem>> -> memref<16x128xf32, #tpu.memory_space<vmem>>
      %dma_start3A_92 = arith.constant 0 : i32
      %dma_start3A_93 = tpu.memref_slice %arg2[%multiple_of3A_77, %dma_start3A_92] : memref<320000x128xf32, #tpu.memory_space<hbm>> -> memref<16x128xf32, #tpu.memory_space<hbm>>
      tpu.enqueue_dma source(%dma_start3A_93 : memref<16x128xf32, #tpu.memory_space<hbm>>) target(%dma_start3A_91 : memref<16x128xf32, #tpu.memory_space<vmem>>) target_semaphore(%run_scoped3A : memref<!tpu.dma_semaphore, #tpu.memory_space<semaphore_mem>>)
      %dma_wait3A = arith.constant 0 : i32
      %dma_wait3A_94 = arith.constant 0 : i32
      %dma_wait3A_95 = tpu.memref_slice %arg6[%dma_wait3A, %dma_wait3A_94] : memref<96x128xf32, #tpu.memory_space<vmem>> -> memref<16x128xf32, #tpu.memory_space<vmem>>
      %dma_wait3A_96 = arith.constant 0 : i32
      %dma_wait3A_97 = tpu.memref_slice %arg2[%multiple_of3A_77, %dma_wait3A_96] : memref<320000x128xf32, #tpu.memory_space<hbm>> -> memref<16x128xf32, #tpu.memory_space<hbm>>
      %dma_wait3A_98 = arith.constant 0 : i32
      %dma_wait3A_99 = arith.constant 0 : i32
      %dma_wait3A_100 = tpu.memref_slice %arg6[%dma_wait3A_98, %dma_wait3A_99] : memref<96x128xf32, #tpu.memory_space<vmem>> -> memref<16x128xf32, #tpu.memory_space<vmem>>
      %dma_wait3A_101 = arith.constant 0 : i32
      %dma_wait3A_102 = tpu.memref_slice %arg2[%multiple_of3A_77, %dma_wait3A_101] : memref<320000x128xf32, #tpu.memory_space<hbm>> -> memref<16x128xf32, #tpu.memory_space<hbm>>
      tpu.wait_dma2 semaphore(%run_scoped3A : memref<!tpu.dma_semaphore, #tpu.memory_space<semaphore_mem>>) src(%dma_wait3A_102 : memref<16x128xf32, #tpu.memory_space<hbm>>) dst(%dma_wait3A_100 : memref<16x128xf32, #tpu.memory_space<vmem>>)
      tpu.yield
    }) : () -> ()
    "tpu.region"() ({
      %run_scoped3A = tpu.sem_alloc : memref<!tpu.dma_semaphore, #tpu.memory_space<semaphore_mem>>
      %dma_start3A_84 = arith.constant 0 : i32
      %dma_start3A_85 = arith.constant 0 : i32
      %dma_start3A_86 = tpu.memref_slice %arg6[%dma_start3A_84, %dma_start3A_85] : memref<96x128xf32, #tpu.memory_space<vmem>> -> memref<16x128xf32, #tpu.memory_space<vmem>>
      %dma_start3A_87 = arith.constant 0 : i32
      %dma_start3A_88 = arith.constant 0 : i32
      %dma_start3A_89 = tpu.memref_slice %arg5[%dma_start3A_87, %dma_start3A_88] : memref<10000x128xf32, #tpu.memory_space<vmem_shared>> -> memref<10000x128xf32, #tpu.memory_space<vmem_shared>>
      tpu.enqueue_indirect_dma source(%dma_start3A_86 : memref<16x128xf32, #tpu.memory_space<vmem>>) target(%dma_start3A_89 : memref<10000x128xf32, #tpu.memory_space<vmem_shared>>) offsets(%arg14 : memref<16xi32, #tpu.memory_space<vmem>>) semaphore(%run_scoped3A : memref<!tpu.dma_semaphore, #tpu.memory_space<semaphore_mem>>) {add = true}
      %dma_wait3A = arith.constant 0 : i32
      %dma_wait3A_90 = arith.constant 0 : i32
      %dma_wait3A_91 = tpu.memref_slice %arg6[%dma_wait3A, %dma_wait3A_90] : memref<96x128xf32, #tpu.memory_space<vmem>> -> memref<16x128xf32, #tpu.memory_space<vmem>>
      %dma_wait3A_92 = arith.constant 0 : i32
      %dma_wait3A_93 = arith.constant 0 : i32
      %dma_wait3A_94 = tpu.memref_slice %arg5[%dma_wait3A_92, %dma_wait3A_93] : memref<10000x128xf32, #tpu.memory_space<vmem_shared>> -> memref<10000x128xf32, #tpu.memory_space<vmem_shared>>
      tpu.wait_indirect_dma semaphore(%run_scoped3A : memref<!tpu.dma_semaphore, #tpu.memory_space<semaphore_mem>>) src(%dma_wait3A_91 : memref<16x128xf32, #tpu.memory_space<vmem>>) dst(%dma_wait3A_94 : memref<10000x128xf32, #tpu.memory_space<vmem_shared>>)
      tpu.yield
    }) : () -> ()
    %barrier3A_78 = arith.constant 0 : index
    tpu.barrier barrier_id(%barrier3A_78)
    "tpu.region"() ({
      %run_scoped3A = tpu.sem_alloc : memref<!tpu.dma_semaphore, #tpu.memory_space<semaphore_mem>>
      %dma_start3A_84 = arith.constant 0 : i32
      %dma_start3A_85 = tpu.memref_slice %arg4[%arg0, %multiple_of3A_39, %dma_start3A_84] : memref<2x10000x128xf32, #tpu.memory_space<hbm>> -> memref<1x624x128xf32, #tpu.memory_space<hbm>>
      %dma_start3A_86 = tpu.memref_squeeze %dma_start3A_85 : memref<1x624x128xf32, #tpu.memory_space<hbm>> -> memref<624x128xf32, #tpu.memory_space<hbm>>
      %dma_start3A_87 = arith.constant 0 : i32
      %dma_start3A_88 = tpu.memref_slice %arg5[%multiple_of3A_39, %dma_start3A_87] : memref<10000x128xf32, #tpu.memory_space<vmem_shared>> -> memref<624x128xf32, #tpu.memory_space<vmem_shared>>
      tpu.enqueue_dma source(%dma_start3A_88 : memref<624x128xf32, #tpu.memory_space<vmem_shared>>) target(%dma_start3A_86 : memref<624x128xf32, #tpu.memory_space<hbm>>) target_semaphore(%run_scoped3A : memref<!tpu.dma_semaphore, #tpu.memory_space<semaphore_mem>>)
      %dma_wait3A = arith.constant 0 : i32
      %dma_wait3A_89 = tpu.memref_slice %arg4[%arg0, %multiple_of3A_39, %dma_wait3A] : memref<2x10000x128xf32, #tpu.memory_space<hbm>> -> memref<1x624x128xf32, #tpu.memory_space<hbm>>
      %dma_wait3A_90 = tpu.memref_squeeze %dma_wait3A_89 : memref<1x624x128xf32, #tpu.memory_space<hbm>> -> memref<624x128xf32, #tpu.memory_space<hbm>>
      %dma_wait3A_91 = arith.constant 0 : i32
      %dma_wait3A_92 = tpu.memref_slice %arg5[%multiple_of3A_39, %dma_wait3A_91] : memref<10000x128xf32, #tpu.memory_space<vmem_shared>> -> memref<624x128xf32, #tpu.memory_space<vmem_shared>>
      tpu.wait_dma2 semaphore(%run_scoped3A : memref<!tpu.dma_semaphore, #tpu.memory_space<semaphore_mem>>) src(%dma_wait3A_92 : memref<624x128xf32, #tpu.memory_space<vmem_shared>>) dst(%dma_wait3A_90 : memref<624x128xf32, #tpu.memory_space<hbm>>)
      tpu.yield
    }) : () -> ()
    %eq3A_79 = arith.constant 15 : i32
    %eq3A_80 = arith.cmpi eq, %arg1, %eq3A_79 : i32
    %convert_element_type3A_81 = arith.extui %eq3A_80 : i1 to i32
    %cond3A_82 = arith.constant 0 : i32
    %cond3A_83 = arith.cmpi ne, %convert_element_type3A_81, %cond3A_82 : i32
    scf.if %cond3A_83 {
      "tpu.region"() ({
        %run_scoped3A = tpu.sem_alloc : memref<!tpu.dma_semaphore, #tpu.memory_space<semaphore_mem>>
        %dma_start3A_84 = arith.constant 9984 : i32
        %dma_start3A_85 = arith.constant 0 : i32
        %dma_start3A_86 = tpu.memref_slice %arg4[%arg0, %dma_start3A_84, %dma_start3A_85] : memref<2x10000x128xf32, #tpu.memory_space<hbm>> -> memref<1x16x128xf32, #tpu.memory_space<hbm>>
        %dma_start3A_87 = tpu.memref_squeeze %dma_start3A_86 : memref<1x16x128xf32, #tpu.memory_space<hbm>> -> memref<16x128xf32, #tpu.memory_space<hbm>>
        %dma_start3A_88 = arith.constant 9984 : i32
        %dma_start3A_89 = arith.constant 0 : i32
        %dma_start3A_90 = tpu.memref_slice %arg5[%dma_start3A_88, %dma_start3A_89] : memref<10000x128xf32, #tpu.memory_space<vmem_shared>> -> memref<16x128xf32, #tpu.memory_space<vmem_shared>>
        tpu.enqueue_dma source(%dma_start3A_90 : memref<16x128xf32, #tpu.memory_space<vmem_shared>>) target(%dma_start3A_87 : memref<16x128xf32, #tpu.memory_space<hbm>>) target_semaphore(%run_scoped3A : memref<!tpu.dma_semaphore, #tpu.memory_space<semaphore_mem>>)
        %dma_wait3A = arith.constant 9984 : i32
        %dma_wait3A_91 = arith.constant 0 : i32
        %dma_wait3A_92 = tpu.memref_slice %arg4[%arg0, %dma_wait3A, %dma_wait3A_91] : memref<2x10000x128xf32, #tpu.memory_space<hbm>> -> memref<1x16x128xf32, #tpu.memory_space<hbm>>
        %dma_wait3A_93 = tpu.memref_squeeze %dma_wait3A_92 : memref<1x16x128xf32, #tpu.memory_space<hbm>> -> memref<16x128xf32, #tpu.memory_space<hbm>>
        %dma_wait3A_94 = arith.constant 9984 : i32
        %dma_wait3A_95 = arith.constant 0 : i32
        %dma_wait3A_96 = tpu.memref_slice %arg5[%dma_wait3A_94, %dma_wait3A_95] : memref<10000x128xf32, #tpu.memory_space<vmem_shared>> -> memref<16x128xf32, #tpu.memory_space<vmem_shared>>
        tpu.wait_dma2 semaphore(%run_scoped3A : memref<!tpu.dma_semaphore, #tpu.memory_space<semaphore_mem>>) src(%dma_wait3A_96 : memref<16x128xf32, #tpu.memory_space<vmem_shared>>) dst(%dma_wait3A_93 : memref<16x128xf32, #tpu.memory_space<hbm>>)
        tpu.yield
      }) : () -> ()
    } else {
    }
    return
  }
}

module attributes {stable_mosaic.version = 14 : i64} {
  func.func @_pre_body(%arg0: i32, %arg1: memref<1000x128xf32, #tpu.memory_space<vmem>>, %arg2: memref<128x256xf32, #tpu.memory_space<vmem>>, %arg3: memref<8x128xf32, #tpu.memory_space<vmem>>, %arg4: memref<1000x128xf32, #tpu.memory_space<vmem>>) attributes {dimension_semantics = [#tpu.dimension_semantics<arbitrary>], iteration_bounds = array<i64: 10>, scalar_prefetch = 0 : i64, scratch_operands = 0 : i64, tpu.core_type = #tpu.core_type<tc>, window_params = [{transform_indices = @transform_0, window_bounds = array<i64: 1000, 128>}, {pipeline_mode = #tpu.pipeline_mode<synchronous>, transform_indices = @transform_1, window_bounds = array<i64: 128, 256>}, {pipeline_mode = #tpu.pipeline_mode<synchronous>, transform_indices = @transform_2, window_bounds = array<i64: 8, 128>}, {transform_indices = @transform_3, window_bounds = array<i64: 1000, 128>}]} {
    %get3A = arith.constant 0 : index
    %get3A_0 = arith.constant 0 : index
    %get3A_1 = vector.load %arg1[%get3A, %get3A_0] : memref<1000x128xf32, #tpu.memory_space<vmem>>, vector<1000x128xf32>
    %get3A_2 = arith.constant 0 : index
    %get3A_3 = arith.constant 0 : index
    %get3A_4 = vector.load %arg2[%get3A_2, %get3A_3] : memref<128x256xf32, #tpu.memory_space<vmem>>, vector<128x128xf32>
    %dot_general3A = arith.constant dense<0.000000e+00> : vector<1000x128xf32>
    %dot_general3A_5 = tpu.matmul %get3A_1, %get3A_4, %dot_general3A {dimension_numbers = #tpu.dot_dimension_numbers<[1], [1], [0], [0], [0, 0, 1, 0], [], []>, transpose_lhs_hint = false} : vector<1000x128xf32>, vector<128x128xf32>, vector<1000x128xf32> -> vector<1000x128xf32>
    %get3A_6 = arith.constant 0 : index
    %get3A_7 = arith.constant 0 : index
    %get3A_8 = vector.load %arg3[%get3A_6, %get3A_7] : memref<8x128xf32, #tpu.memory_space<vmem>>, vector<1x128xf32>
    %add3A = vector.broadcast %get3A_8 : vector<1x128xf32> to vector<1000x128xf32>
    %add3A_9 = arith.addf %dot_general3A_5, %add3A : vector<1000x128xf32>
    %swap3A = arith.constant 0 : index
    %swap3A_10 = arith.constant 0 : index
    %swap3A_11 = vector.load %arg4[%swap3A, %swap3A_10] : memref<1000x128xf32, #tpu.memory_space<vmem>>, vector<1000x128xf32>
    tpu.vector_store %arg4[%swap3A, %swap3A_10], %add3A_9 {strides = array<i32>} : memref<1000x128xf32, #tpu.memory_space<vmem>>, vector<1000x128xf32>,
    return
  }
  func.func @transform_0(%arg0: i32) -> (i32, i32) {
    %c0_i32 = arith.constant 0 : i32
    %c0_i32_0 = arith.constant 0 : i32
    return %arg0, %c0_i32 : i32, i32
  }
  func.func @transform_1(%arg0: i32) -> (i32, i32) {
    %c0_i32 = arith.constant 0 : i32
    %c0_i32_0 = arith.constant 0 : i32
    %c0_i32_1 = arith.constant 0 : i32
    return %c0_i32, %c0_i32_0 : i32, i32
  }
  func.func @transform_2(%arg0: i32) -> (i32, i32) {
    %c0_i32 = arith.constant 0 : i32
    %c0_i32_0 = arith.constant 0 : i32
    %c0_i32_1 = arith.constant 0 : i32
    return %c0_i32, %c0_i32_0 : i32, i32
  }
  func.func @transform_3(%arg0: i32) -> (i32, i32) {
    %c0_i32 = arith.constant 0 : i32
    %c0_i32_0 = arith.constant 0 : i32
    return %arg0, %c0_i32 : i32, i32
  }
}

module attributes {stable_mosaic.version = 14 : i64} {
  func.func @_post_body(%arg0: i32, %arg1: memref<1000x128xf32, #tpu.memory_space<vmem>>, %arg2: memref<2x1000x128xf32, #tpu.memory_space<vmem>>, %arg3: memref<128x256xf32, #tpu.memory_space<vmem>>, %arg4: memref<1000x128xf32, #tpu.memory_space<vmem>>) attributes {dimension_semantics = [#tpu.dimension_semantics<arbitrary>], iteration_bounds = array<i64: 10>, scalar_prefetch = 0 : i64, scratch_operands = 0 : i64, tpu.core_type = #tpu.core_type<tc>, window_params = [{transform_indices = @transform_0, window_bounds = array<i64: 1000, 128>}, {transform_indices = @transform_1, window_bounds = array<i64: 2, 1000, 128>}, {pipeline_mode = #tpu.pipeline_mode<synchronous>, transform_indices = @transform_2, window_bounds = array<i64: 128, 256>}, {transform_indices = @transform_3, window_bounds = array<i64: 1000, 128>}]} {
    %get3A = arith.constant 0 : index
    %get3A_0 = arith.constant 0 : index
    %get3A_1 = arith.constant 0 : index
    %get3A_2 = vector.load %arg2[%get3A, %get3A_0, %get3A_1] : memref<2x1000x128xf32, #tpu.memory_space<vmem>>, vector<1x1000x128xf32>
    %get3A_3 = vector.shape_cast %get3A_2 : vector<1x1000x128xf32> to vector<1000x128xf32>
    %get3A_4 = arith.constant 1 : index
    %get3A_5 = arith.constant 0 : index
    %get3A_6 = arith.constant 0 : index
    %get3A_7 = vector.load %arg2[%get3A_4, %get3A_5, %get3A_6] : memref<2x1000x128xf32, #tpu.memory_space<vmem>>, vector<1x1000x128xf32>
    %get3A_8 = vector.shape_cast %get3A_7 : vector<1x1000x128xf32> to vector<1000x128xf32>
    %add3A = arith.addf %get3A_3, %get3A_8 : vector<1000x128xf32>
    %get3A_9 = arith.constant 0 : index
    %get3A_10 = arith.constant 128 : index
    %get3A_11 = vector.load %arg3[%get3A_9, %get3A_10] : memref<128x256xf32, #tpu.memory_space<vmem>>, vector<128x128xf32>
    %dot_general3A = arith.constant dense<0.000000e+00> : vector<1000x128xf32>
    %dot_general3A_12 = tpu.matmul %add3A, %get3A_11, %dot_general3A {dimension_numbers = #tpu.dot_dimension_numbers<[1], [1], [0], [0], [0, 0, 1, 0], [], []>, transpose_lhs_hint = false} : vector<1000x128xf32>, vector<128x128xf32>, vector<1000x128xf32> -> vector<1000x128xf32>
    %get3A_13 = arith.constant 0 : index
    %get3A_14 = arith.constant 0 : index
    %get3A_15 = vector.load %arg1[%get3A_13, %get3A_14] : memref<1000x128xf32, #tpu.memory_space<vmem>>, vector<1000x128xf32>
    %add3A_16 = arith.addf %dot_general3A_12, %get3A_15 : vector<1000x128xf32>
    %max3A = arith.constant 0.000000e+00 : f32
    %max3A_17 = vector.broadcast %max3A : f32 to vector<1000x128xf32>
    %max3A_18 = arith.maximumf %add3A_16, %max3A_17 : vector<1000x128xf32>
    %swap3A = arith.constant 0 : index
    %swap3A_19 = arith.constant 0 : index
    %swap3A_20 = vector.load %arg4[%swap3A, %swap3A_19] : memref<1000x128xf32, #tpu.memory_space<vmem>>, vector<1000x128xf32>
    tpu.vector_store %arg4[%swap3A, %swap3A_19], %max3A_18 {strides = array<i32>} : memref<1000x128xf32, #tpu.memory_space<vmem>>, vector<1000x128xf32>,
    return
  }
  func.func @transform_0(%arg0: i32) -> (i32, i32) {
    %c0_i32 = arith.constant 0 : i32
    %c0_i32_0 = arith.constant 0 : i32
    return %arg0, %c0_i32 : i32, i32
  }
  func.func @transform_1(%arg0: i32) -> (i32, i32, i32) {
    %c0_i32 = arith.constant 0 : i32
    %c0_i32_0 = arith.constant 0 : i32
    %c0_i32_1 = arith.constant 0 : i32
    return %c0_i32, %arg0, %c0_i32_0 : i32, i32, i32
  }
  func.func @transform_2(%arg0: i32) -> (i32, i32) {
    %c0_i32 = arith.constant 0 : i32
    %c0_i32_0 = arith.constant 0 : i32
    %c0_i32_1 = arith.constant 0 : i32
    return %c0_i32, %c0_i32_0 : i32, i32
  }
  func.func @transform_3(%arg0: i32) -> (i32, i32) {
    %c0_i32 = arith.constant 0 : i32
    %c0_i32_0 = arith.constant 0 : i32
    return %arg0, %c0_i32 : i32, i32
  }
}

</mosaic_0001>

<sc_bundles>
// kernel: kernel.5.cloned.1.call-start
scs
__scs_entry_jumppad:
0x0: {  	(pc) =	sbr.rel $0x88, $3  }
0x1: {  	(tag) =	ssettag $0x0;
	lr =	simm.s32 $0x1  }
0x2: {  	[smem:$0x3F9C] =	sst lr;
	_ =	strace $0xD0000000  }
0x3: {  	_ = 	snop  }
0x4: {  	_ = 	snop  }
0x5: {  	_ = 	snop  }
0x6: {  	_ = 	snop  }
0x7: {  	_ = 	snop  }
__scs_overlays_trampoline_lowered:
0x8: {  	[smem:$0x3FAB] =	sst s0  }
0x9: {  	[smem:$0x3FAC] =	sst s1  }
0xa: {  	[smem:$0x3FAD] =	sst s2  }
0xb: {  	[smem:$0x3FAE] =	sst s3  }
0xc: {  	[smem:$0x3FAF] =	sst s4  }
0xd: {  	[smem:$0x3FB0] =	sst s5  }
0xe: {  	[smem:$0x3FB1] =	sst s6  }
0xf: {  	[smem:$0x3FB2] =	sst s7  }
0x10: {  	[smem:$0x3FB3] =	sst s8  }
0x11: {  	[smem:$0x3FB4] =	sst s9;
	s0 =	simm.s32 @!p0 $0x0  }
0x12: {  	s1 =	sld [smem:$0x3F9A];
	s0 =	simm.s32 @p0 $0x1  }
0x13: {  	[smem:$0x3FB5] =	sst s0;
	s0 =	simm.s32 @!p1 $0x0  }
0x14: {  	s2 =	sld [smem:$0x3F99];
	s0 =	simm.s32 @p1 $0x1  }
0x15: {  	[smem:$0x3FB6] =	sst s0;
	s0 =	simm.s32 @!p2 $0x0  }
0x16: {  	s3 =	sld [smem:$0x3FDB];
	s0 =	simm.s32 @p2 $0x1  }
0x17: {  	s4 =	simm.s32 $0x1BF5;
	[smem:$0x3FB8] =	sst s0  }
0x18: {  	s0 =	sld [smem:$0x3F9B];
	_ =	swait.ge [sflag:s4], $0x0  }
0x19: {  	s7 =	sld [smem:$0x3F9C]  }
0x1a: {  	s8 =	sadd.s32 $0xFFFFE003, lr  }
0x1b: {  	s9 =	sadd.s32 $0xFFFFFEF7, lr;
	s5 =	simm.s32 $0xFFFFFFFF;
	p2 =	slt.u32 s8, $0xFFFFF086  }
0x1c: {  	p1 =	slt.u32 s9, $0xF7A;
	s5 =	simm.s32 @!p2 $0x0  }
0x1d: {  	s5 =	simm.s32 @p1 $0x1;
	p0 =	seq.s32 s7, s2  }
0x1e: {  	s7 =	smul.u32 @!p0 $0xF7A, s2;
	p2 =	seq.s32 @!p0 s5, $0x0  }
0x1f: {  	s9 =	smul.u32 $0xF7A, s1;
	s8 =	simm.s32 @!p0 $0x1BF5;
	p2 =	por !p2, p0  }
0x20: {  	[sflag:s8] =	ssyncset.s32 @!p0 $0xFFFFF086;
	s6 =	sadd.s32 @!p0 s3, s7;
	s7 =	simm.s32 @!p0 $0x108  }
0x21: {  	s3 =	sadd.s32 s3, s9;
	s6 =	sadd.s32 @!p0 $0x88, s6;
	s7 =	simm.s32 @p2 $0x1082  }
0x22: {  	[simem:s7], [sflag:s8] =	dma.local @!p0 [hbm:s6], $0xF7A  }
0x23: {  	s9 =	sor.u32 $0xD0000000, s2;
	s6 =	simm.s32 $0x108;
	_ =	swait.ge @!p0 [sflag:s8], $0x0  }
0x24: {  	s3 =	sadd.s32 $0x88, s3;
	s6 =	simm.s32 @!p1 $0x1082;
	[sflag:s4] =	ssyncset.s32 $0xFFFFF086  }
0x25: {  	[simem:s6], [sflag:s4] =	dma.local [hbm:s3], $0xF7A  }
0x26: {  	[smem:$0x3F9C] =	sst s1;
	(tag) =	ssettag s2;
	_ =	strace s9  }
0x27: {  	s1 =	sld [smem:$0x3FAC]  }
0x28: {  	s2 =	sld [smem:$0x3FAD]  }
0x29: {  	s4 =	sld [smem:$0x3FAF]  }
0x2a: {  	p0 =	seq.s32 s5, $0x0;
	s5 =	sld [smem:$0x3FB0]  }
0x2b: {  	s6 =	sld [smem:$0x3FB1]  }
0x2c: {  	s7 =	sld [smem:$0x3FB2]  }
0x2d: {  	s3 =	simm.s32 $0x108;
	s8 =	sld [smem:$0x3FB3]  }
0x2e: {  	s3 =	simm.s32 @!p0 $0x1082;
	s9 =	sld [smem:$0x3FB4]  }
0x2f: {  	lr =	sadd.s32 s0, s3;
	s0 =	sld [smem:$0x3FAB]  }
0x30: {  	s3 =	sld [smem:$0x3FAE]  }
0x31: {  	[smem:$0x3FB7] =	sst s10  }
0x32: {  	s10 =	sld [smem:$0x3FB5];
	_ =	sdelay $0x3  }
0x33: {  	p0 =	seq.s32 s10, $0x1;
	s10 =	sld [smem:$0x3FB7];
	_ =	sdelay $0x3  }
0x34: {  	[smem:$0x3FB7] =	sst s10  }
0x35: {  	s10 =	sld [smem:$0x3FB6];
	_ =	sdelay $0x3  }
0x36: {  	p1 =	seq.s32 s10, $0x1;
	s10 =	sld [smem:$0x3FB7];
	_ =	sdelay $0x3  }
0x37: {  	[smem:$0x3FB7] =	sst s10  }
0x38: {  	s10 =	sld [smem:$0x3FB8]  }
0x39: {  	_ = 	snop;
	(pc) =	sbr.ind lr, $3  }
0x3a: {  	_ = 	snop  }
0x3b: {  	_ = 	snop  }
0x3c: {  	p2 =	seq.s32 s10, $0x1;
	s10 =	sld [smem:$0x3FB7]  }
0x3d: {  	_ =	shalt  }
0x3e: {  	_ =	shalt  }
0x3f: {  	_ =	shalt  }
0x40: {  	_ =	shalt  }
0x41: {  	_ =	shalt  }
0x42: {  	_ =	shalt  }
0x43: {  	_ =	shalt  }
0x44: {  	_ =	shalt  }
0x45: {  	_ =	shalt  }
0x46: {  	_ =	shalt  }
0x47: {  	_ =	shalt  }
0x48: {  	_ =	shalt  }
0x49: {  	_ =	shalt  }
0x4a: {  	_ =	shalt  }
0x4b: {  	_ =	shalt  }
0x4c: {  	_ =	shalt  }
0x4d: {  	_ =	shalt  }
0x4e: {  	_ =	shalt  }
0x4f: {  	_ =	shalt  }
0x50: {  	_ =	shalt  }
0x51: {  	_ =	shalt  }
0x52: {  	_ =	shalt  }
0x53: {  	_ =	shalt  }
0x54: {  	_ =	shalt  }
0x55: {  	_ =	shalt  }
0x56: {  	_ =	shalt  }
0x57: {  	_ =	shalt  }
0x58: {  	_ =	shalt  }
0x59: {  	_ =	shalt  }
0x5a: {  	_ =	shalt  }
0x5b: {  	_ =	shalt  }
0x5c: {  	_ =	shalt  }
0x5d: {  	_ =	shalt  }
0x5e: {  	_ =	shalt  }
0x5f: {  	_ =	shalt  }
0x60: {  	_ =	shalt  }
0x61: {  	_ =	shalt  }
0x62: {  	_ =	shalt  }
0x63: {  	_ =	shalt  }
0x64: {  	_ =	shalt  }
0x65: {  	_ =	shalt  }
0x66: {  	_ =	shalt  }
0x67: {  	_ =	shalt  }
0x68: {  	_ =	shalt  }
0x69: {  	_ =	shalt  }
0x6a: {  	_ =	shalt  }
0x6b: {  	_ =	shalt  }
0x6c: {  	_ =	shalt  }
0x6d: {  	_ =	shalt  }
0x6e: {  	_ =	shalt  }
0x6f: {  	_ =	shalt  }
0x70: {  	_ =	shalt  }
0x71: {  	_ =	shalt  }
0x72: {  	_ =	shalt  }
0x73: {  	_ =	shalt  }
0x74: {  	_ =	shalt  }
0x75: {  	_ =	shalt  }
0x76: {  	_ =	shalt  }
0x77: {  	_ =	shalt  }
0x78: {  	_ =	shalt  }
0x79: {  	_ =	shalt  }
0x7a: {  	_ =	shalt  }
0x7b: {  	_ =	shalt  }
0x7c: {  	_ =	shalt  }
0x7d: {  	_ =	shalt  }
0x7e: {  	_ =	shalt  }
0x7f: {  	_ =	shalt  }
0x80: {  	_ =	shalt  }
0x81: {  	_ =	shalt  }
0x82: {  	_ =	shalt  }
0x83: {  	_ =	shalt  }
0x84: {  	_ =	shalt  }
0x85: {  	_ =	shalt  }
0x86: {  	_ =	shalt  }
0x87: {  	_ =	shalt  }
.Lfunc_end0:
.L_simem_size_0:
called_computation_lowered:
.L_overlay_start_0:
0x88: {  	s2 =	sld [smem:$0x3FD9]  }
0x89: {  	s3 =	sld [smem:$0x3FFE];
	_ =	sdelay $0x1  }
0x8a: {  	s1 =	srdreg.scid  }
0x8b: {  	s0 =	sand.u32 $0x1, s1  }
0x8c: {  	s17 =	sshll.u32 s0, $0xA;
	s2 =	sadd.s32 s3, s2  }
0x8d: {  	s2 =	sadd.s32 s2, s17  }
0x8e: {  	[smem:$0x3FC3] =	sst s2  }
0x8f: {  	_ = 	snop  }
0x90: {  	s2 =	sld [smem:$0x3FC8]  }
0x91: {  	s18 =	sld [smem:$0x3FD0];
	(tm) =	ssettm $0x1  }
0x92: {  	s4 =	sld [smem:$0x3FFB];
	_ =	sdelay $0x3  }
0x93: {  	_ =	strace s4  }
0x94: {  	s4 =	sld [smem:$0x3FFC];
	_ =	sdelay $0x3  }
0x95: {  	_ =	strace s4  }
0x96: {  	s4 =	sld [smem:$0x3FFD];
	_ =	sdelay $0x3  }
0x97: {  	_ =	strace s4  }
0x98: {  	_ =	strace $0x8FFFFFFF  }
0x99: {  	s19 =	sld [smem:$0x3FDB];
	_ =	sdelay $0x1  }
0x9a: {  	s5 =	simm.s32 $_scs_section_size  }
0x9b: {  	s6 =	simm.s32 $_size__tile_overlayer_lowered;
	s7 =	simm.s32 $_tile_overlayer_lowered  }
0x9c: {  	s22 =	simm.s32 $0x1BFF;
	s21 =	sshll.u32 s7, $0x1;
	s4 =	sadd.s32 s5, s19  }
0x9d: {  	s8 =	simm.s32 $0x0;
	s20 =	sshll.u32 s6, $0x1;
	s6 =	sadd.s32 s21, s4  }
0x9e: {  	[timem:s8], [sflag:s22] =	dma.local [hbm:s6], s20  }
0x9f: {  	_ =	swait.ge [sflag:s22], s20  }
0xa0: {  	s5 =	ssub.s32 $0x0, s20;
	[sflag:s22] =	ssyncset.done $0x0  }
0xa1: {  	[sflag:s22] =	ssyncadd.s32 s5;
	_ =	sdelay $0x1  }
0xa2: {  	s23 =	simm.s32 $0x1B8B  }
0xa3: {  	_ =	swait.ge [sflag:s23], $0x1  }
0xa4: {  	[sflag:s23] =	ssyncset.done $0x0  }
0xa5: {  	s25 =	simm.s32 $0x1B8E;
	s24 =	sld [smem:$0x3FFE];
	[sflag:s23] =	ssyncadd.s32 $0xFFFFFFFF  }
0xa6: {  	s26 =	simm.s32 $execute0_lowered;
	[smem:$0x3FD2] =	sst s25  }
0xa7: {  	s6 =	sshll.u32 s26, $0x1;
	_ =	strace $0x80000046;
	[dreg:$0x1] =	wrdreg $0xFFFFFFFF  }
0xa8: {  	s28 =	simm.s32 $_size_execute0_lowered;
	s4 =	sadd.s32 s4, s6;
	[dreg:$0x0] =	wrdreg $0x0  }
0xa9: {  	s6 =	sshll.u32 s28, $0x1;
	[dreg:$0x2] =	wrdreg s4  }
0xaa: {  	[dreg:$0x3] =	wrdreg s6  }
0xab: {  	[dreg:$0x4] =	wrdreg $0xC0  }
0xac: {  	_ =	task [dreg:s8], $0x5FFFF  }
0xad: {  	[dreg:$0x1] =	wrdreg $0xFFFFFFFF  }
0xae: {  	[dreg:$0x0] =	wrdreg $0x60  }
0xaf: {  	[dreg:$0x2] =	wrdreg s2  }
0xb0: {  	[dreg:$0x3] =	wrdreg s18  }
0xb1: {  	[dreg:$0x4] =	wrdreg s24  }
0xb2: {  	[dreg:$0x5] =	wrdreg $0x0  }
0xb3: {  	[dreg:$0x6] =	wrdreg $0x9  }
0xb4: {  	_ =	task.clear_ibuf [dreg:s8], $0x7FFFF;
	_ =	strace $0x90000046  }
0xb5: {  	s29 =	simm.s32 $0x9;
	_ =	strace $0x80000048  }
0xb6: {  	_ =	swait.ge [sflag:s29], $0x1  }
0xb7: {  	[sflag:s29] =	ssyncadd.s32 $0xFFFFFFFF  }
0xb8: {  	_ =	strace $0x90000048  }
0xb9: {  	_ =	sfence  }
0xba: {  	s30 =	sld [smem:$0x0];
	_ =	sdelay $0x2  }
0xbb: {  	s31 =	sshll.u32 s1, $0xD;
	s1 =	sshrl.u32 s1, $0x2  }
0xbc: {  	s3 =	sand.u32 $0x4000, s31;
	s1 =	sadd.s32 s1, s30  }
0xbd: {  	s0 =	sor.u32 s3, s0;
	s1 =	sshll.u32 s1, $0x11  }
0xbe: {  	s0 =	sor.u32 s1, s0  }
0xbf: {  	s0 =	sadd.s32 $0x8F2B, s0  }
0xc0: {  	[sflag:s0] =	ssyncadd.remote.s32 $0x1  }
0xc1: {  	_ =	sfence.sel $0xFFFF  }
0xc2: {  	[dreg:$0x0] =	wrdreg $0xFFFFFFFF;
	(pc) =	sbr.abs _section_cstart, $3  }
0xc3: {  	[dreg:$0x1] =	wrdreg $0xFFFFFFFF  }
0xc4: {  	_ =	task.clear_ibuf [dreg:s8], $0x2FFFF;
	_ =	strace $0x9FFFFFFF  }
0xc5: {  	(tm) =	ssettm $0x7FFFFFFF  }
tec
execute0_lowered:
.L_overlay_start_1:
0x0: {  	(tag) =	ssettag $0x1  }
0x1: {  	s1 =	rddreg [dreg:$0x0]  }
0x2: {  	s0 =	rddreg [dreg:$0x1]  }
0x3: {  	s2 =	srdreg.scid;
	s5 =	rddreg [dreg:$0x2]  }
0x4: {  	s3 =	rddreg [dreg:$0x3];
	s13 =	stileid.u32  }
0x5: {  	s4 =	simm.s32 $0x0;
	s2 =	sand.u32 $0x1, s2;
	s21 =	smul.u32 $0x4E000, s13  }
0x6: {  	[smem:$0x7FF] =	sst s4;
	s5 =	sadd.s32 $0x800, s5;
	s16 =	smul.u32 $0x2710, s13  }
0x7: {  	p0 =	sne.s32 s13, $0xF;
	s31 =	sadd.s32 $0x138000, s3;
	s30 =	smul.u32 $0x138800, s2  }
0x8: {  	s6 =	sshll.u32 s2, $0x4;
	s7 =	ssub.s32 $0x2, s2;
	s14 =	smul.u32 $0x271000, s2  }
0x9: {  	_ =	strace $0x80000047;
	s2 =	smul.u32 $0x27100, s2;
	s6 =	sor.u32 s13, s6  }
0xa: {  	s9 =	sshrl.u32 s7, $0x1;
	s24 =	sshrl.u32 s21, $0x2;
	s8 =	smul.u32 $0x2710, s6  }
0xb: {  	s7 =	ssub.s32 s7, s9;
	s6 =	smul.u32 $0x27100, s6;
	s2 =	sadd.s32 s16, s2  }
0xc: {  	s16 =	simm.s32 $0x8;
	s7 =	smax.u32 s7, $0x1;
	s17 =	sadd.s32 $0x60, s8  }
0xd: {  	s10 =	sadd.s32 $0xC0, s8;
	s20 =	sadd.s32 $0x120, s8;
	s25 =	sshrl.u32 s8, $0x3  }
0xe: {  	s6 =	sadd.s32 s1, s6;
	s29 =	sadd.s32 $0x2700, s8;
	s8 =	sshrl.u32 s30, $0x3  }
0xf: {  	[dreg:$0x13] =	wrdreg s7;
	s7 =	simm.s32 $0x13880;
	s11 =	sshrl.u32 s17, $0x3  }
0x10: {  	s9 =	sshll.u32 s17, $0x4;
	s12 =	sshrl.u32 s10, $0x3;
	s19 =	sshll.u32 s10, $0x4  }
0x11: {  	s22 =	sshrl.u32 s20, $0x3;
	s10 =	sshll.u32 s20, $0x4;
	[dreg:$0xe] =	wrdreg s6  }
0x12: {  	s6 =	sshll.u32 s29, $0x4;
	s8 =	sadd.s32 s5, s8;
	s11 =	sadd.s32 s0, s11  }
0x13: {  	s20 =	sadd.s32 $0x240, s2;
	s9 =	sadd.s32 s1, s9;
	[dreg:$0x5] =	wrdreg s11  }
0x14: {  	s18 =	sadd.s32 s0, s12;
	s23 =	sadd.s32 s1, s10;
	[dreg:$0x6] =	wrdreg s9  }
0x15: {  	s10 =	sshrl.u32 s29, $0x3;
	s12 =	smul.u32 $0x13800, s13;
	[dreg:$0x7] =	wrdreg s18  }
0x16: {  	s6 =	sadd.s32 s1, s6;
	s17 =	sadd.s32 $0x27000, s8;
	[dreg:$0xa] =	wrdreg s23  }
0x17: {  	s8 =	simm.s32 $0x9;
	s9 =	sadd.s32 s1, s19;
	[dreg:$0x10] =	wrdreg s6  }
0x18: {  	s11 =	sadd.s32 s24, s3;
	[dreg:$0x12] =	wrdreg s17;
	s18 =	smul.u32 $0x27100, s13  }
0x19: {  	s1 =	sadd.s32 s14, s1;
	s19 =	sadd.s32 $0x2A0, s2;
	s6 =	simm.s32 $0x1C880  }
0x1a: {  	s13 =	simm.s32 $0x60;
	s14 =	simm.s32 $0x7;
	s17 =	simm.s32 $0x4  }
0x1b: {  	[dreg:$0x8] =	wrdreg s9;
	s9 =	sadd.s32 s0, s22;
	s26 =	sadd.s32 $0x3000, s11  }
0x1c: {  	s28 =	sadd.s32 $0x6000, s11;
	s15 =	sadd.s32 s12, s30;
	[dreg:$0x9] =	wrdreg s9  }
0x1d: {  	s22 =	sadd.s32 $0x1E0, s2;
	s29 =	sadd.s32 $0xF000, s11;
	[dreg:$0xb] =	wrdreg s26  }
0x1e: {  	s30 =	sadd.s32 $0x12000, s11;
	s12 =	simm.s32 $0x1;
	[dreg:$0xc] =	wrdreg s28  }
0x1f: {  	s9 =	sadd.s32 s0, s25;
	s21 =	sadd.s32 s18, s1;
	[dreg:$0x1a] =	wrdreg s29  }
0x20: {  	s1 =	sshrl.u32 s19, $0x3;
	s24 =	sshrl.u32 s22, $0x3;
	[dreg:$0x1b] =	wrdreg s30  }
0x21: {  	s25 =	sadd.s32 $0x180, s2;
	s26 =	sadd.s32 $0x9000, s11;
	[dreg:$0xd] =	wrdreg s9  }
0x22: {  	s28 =	sadd.s32 $0xC000, s11;
	s2 =	simm.s32 $0x19880;
	[dreg:$0x17] =	wrdreg s25  }
0x23: {  	s19 =	simm.s32 $0x0;
	s9 =	sadd.s32 s0, s10;
	[dreg:$0x18] =	wrdreg s26  }
0x24: {  	s1 =	sadd.s32 s1, s0;
	[dreg:$0x19] =	wrdreg s28;
	s10 =	simm.s32 $0x5  }
.Ltmp0:
0x25: {  	[dreg:$0xf] =	wrdreg s9;
	s9 =	sshrl.u32 s15, $0x3;
	(pc) =	sbr.rel .LBB2_1-.Ltmp0, $4  }
0x26: {  	[dreg:$0x14] =	wrdreg s1;
	s1 =	sadd.s32 s24, s0;
	s5 =	sadd.s32 s5, s9  }
0x27: {  	s15 =	simm.s32 $0x3;
	[dreg:$0x11] =	wrdreg s5;
	s5 =	sshrl.u32 s20, $0x3  }
0x28: {  	[dreg:$0x16] =	wrdreg s1;
	s1 =	simm.s32 $0x1F980;
	s23 =	sadd.s32 s5, s0  }
0x29: {  	v0 =	vimm.f32 $0.0e+00;
	s9 =	simm.s32 $0x1F880;
	s5 =	simm.s32 $0x1FA00;
	[dreg:$0x15] =	wrdreg s23  }
.LBB2_6:
0x2a: {  	_ =	swait.ge [sflag:s16], $0x60  }
0x2b: {  	[sflag:s16] =	ssyncset.done $0x0  }
0x2c: {  	[sflag:s16] =	ssyncadd.s32 $0xFFFFFFA0  }
0x2d: {  	_ =	swait.ge [sflag:s17], $0x3000  }
0x2e: {  	[sflag:s17] =	ssyncset.done $0x0  }
0x2f: {  	[sflag:s17] =	ssyncadd.s32 $0xFFFFD000  }
0x30: {  	[spmem:s3] =	stream.indirect.scatter.add.f32 [tilespmem:s6], [sflag:$0x9], $0x80, s5, s13, $0xb8;
	[tilespmem:$0x1FB00] =	vst v63  }
0x31: {  	_ =	swait.ge [sflag:s8], $0x3000  }
0x32: {  	[sflag:s8] =	ssyncset.done $0x0  }
0x33: {  	s20 =	simm.s32 $0x1FA80;
	s18 =	rddreg [dreg:$0xf];
	[sflag:s8] =	ssyncadd.s32 $0xFFFFD000  }
0x34: {  	[tilespmem:s20], [sflag:$0x9] =	stream.linear.gather [hbm4b:s18+s4], $0x10, $0x38;
	[tilespmem:$0x1FB00] =	vst v63  }
0x35: {  	_ =	swait.ge [sflag:s8], $0x10  }
0x36: {  	[sflag:s8] =	ssyncset.done $0x0  }
0x37: {  	s25 =	rddreg [dreg:$0x10];
	[sflag:s8] =	ssyncadd.s32 $0xFFFFFFF0  }
0x38: {  	[tilespmem:s7], [sflag:$0x9] =	stream.linear.gather [hbm4b:s25+s4], $0x800, $0x38;
	[tilespmem:$0x1FB00] =	vst v63  }
0x39: {  	_ =	swait.ge [sflag:s8], $0x800  }
0x3a: {  	[sflag:s8] =	ssyncset.done $0x0  }
0x3b: {  	s26 =	simm.s32 $0x10;
	[sflag:s8] =	ssyncadd.s32 $0xFFFFF800  }
0x3c: {  	[spmem:s3] =	stream.indirect.scatter.add.f32 [tilespmem:s7], [sflag:$0x9], $0x80, s20, s26, $0xb8;
	[tilespmem:$0x1FB00] =	vst v63  }
0x3d: {  	_ =	swait.ge [sflag:s8], $0x800  }
0x3e: {  	[sflag:s8] =	ssyncset.done $0x0  }
0x3f: {  	s28 =	stileid.u32;
	[sflag:s8] =	ssyncadd.s32 $0xFFFFF800  }
0x40: {  	s18 =	sshll.u32 s28, $0x6;
	[bflag:$0x0] =	sbarrier.arrive $0xFFFF  }
0x41: {  	s29 =	sshrl.u32 s11, $0x3;
	s18 =	sor.u32 $0x1C09, s18;
	s22 =	rddreg [dreg:$0x11]  }
0x42: {  	[hbm:s22], [sflag:s18] =	dma.local [spmem:s29], $0x2700  }
0x43: {  	_ =	swait.ge [sflag:s8], $0x2700  }
0x44: {  	[sflag:s8] =	ssyncset.done $0x0  }
0x45: {  	s20 =	sshrl.u32 @!p0 s31, $0x3;
	s22 =	rddreg [dreg:$0x12];
	[sflag:s8] =	ssyncadd.s32 $0xFFFFD900  }
0x46: {  	[hbm:s22], [sflag:s18] =	dma.local @!p0 [spmem:s20], $0x100  }
0x47: {  	s18 =	simm.s32 @!p0 $0x9  }
0x48: {  	_ =	swait.ge @!p0 [sflag:s18], $0x100  }
0x49: {  	s19 =	sadd.s32 $0x1, s19;
	s30 =	rddreg [dreg:$0x13]  }
0x4a: {  	p1 =	sne.s32 s19, s30  }
.Ltmp1:
0x4b: {  	_ = 	snop;
	(pc) =	sbr.rel @!p1 .LBB2_7-.Ltmp1, $3  }
0x4c: {  	_ =	sdelay $0x1  }
0x4d: {  	[sflag:s18] =	ssyncset.done @!p0 $0x0  }
0x4e: {  	[sflag:s18] =	ssyncadd.s32 @!p0 $0xFFFFFF00  }
.LBB2_1:
0x4f: {  	s18 =	rddreg [dreg:$0x5];
	s20 =	simm.s32 $0x1F900  }
0x50: {  	[tilespmem:s20], [sflag:$0x6] =	stream.linear.gather [hbm4b:s18+s4], $0x60, $0x38;
	[tilespmem:$0x1FB00] =	vst v63  }
0x51: {  	s24 =	rddreg [dreg:$0x6];
	s25 =	simm.s32 $0x16880  }
0x52: {  	[tilespmem:s25], [sflag:$0x2] =	stream.linear.gather [hbm4b:s24+s4], $0x3000, $0x38;
	[tilespmem:$0x1FB00] =	vst v63  }
0x53: {  	s26 =	rddreg [dreg:$0x7]  }
0x54: {  	[tilespmem:s1], [sflag:$0x7] =	stream.linear.gather [hbm4b:s26+s4], $0x60, $0x38;
	[tilespmem:$0x1FB00] =	vst v63  }
0x55: {  	s28 =	rddreg [dreg:$0x8]  }
0x56: {  	[tilespmem:s2], [sflag:$0x3] =	stream.linear.gather [hbm4b:s28+s4], $0x3000, $0x38;
	[tilespmem:$0x1FB00] =	vst v63  }
0x57: {  	s29 =	rddreg [dreg:$0x9]  }
0x58: {  	[tilespmem:s5], [sflag:$0x8] =	stream.linear.gather [hbm4b:s29+s4], $0x60, $0x38;
	[tilespmem:$0x1FB00] =	vst v63  }
0x59: {  	s30 =	rddreg [dreg:$0xa];
	s23 =	simm.s32 $0x200;
	s20 =	simm.s32 $0x0  }
0x5a: {  	[tilespmem:s6], [sflag:$0x4] =	stream.linear.gather [hbm4b:s30+s4], $0x3000, $0x38;
	[tilespmem:$0x1FB00] =	vst v63  }
.LBB2_2:
0x5b: {  	p1 =	sne.s32 s23, $0xBE00;
	[tilespmem:s20+$0x138F0] =	vst v0  }
0x5c: {  	[tilespmem:s20+$0x13880] =	vst v0  }
0x5d: {  	[tilespmem:s20+$0x13890] =	vst v0  }
.Ltmp2:
0x5e: {  	[tilespmem:s20+$0x138A0] =	vst v0;
	(pc) =	sbr.rel @p1 .LBB2_2-.Ltmp2, $4  }
0x5f: {  	[tilespmem:s20+$0x138B0] =	vst v0  }
0x60: {  	[tilespmem:s20+$0x138C0] =	vst v0  }
0x61: {  	[tilespmem:s20+$0x138D0] =	vst v0  }
0x62: {  	[tilespmem:s20+$0x138E0] =	vst v0;
	s20 =	sshra.s32 s23, $0x2;
	s23 =	sadd.s32 $0x200, s23  }
0x63: {  	[tilespmem:s20+$0x138F0] =	vst v0  }
0x64: {  	[tilespmem:s20+$0x13880] =	vst v0  }
0x65: {  	[tilespmem:s20+$0x13890] =	vst v0  }
0x66: {  	[tilespmem:s20+$0x138A0] =	vst v0  }
0x67: {  	[tilespmem:s20+$0x138B0] =	vst v0  }
0x68: {  	[tilespmem:s20+$0x138C0] =	vst v0  }
0x69: {  	[tilespmem:s20+$0x138D0] =	vst v0  }
0x6a: {  	[tilespmem:s20+$0x138E0] =	vst v0  }
0x6b: {  	[spmem:s11] =	stream.linear.scatter [tilespmem:s7], [sflag:$0x9], $0x3000, $0x38;
	[tilespmem:$0x1FB00] =	vst v63  }
0x6c: {  	_ =	swait.ge [sflag:s8], $0x3000  }
0x6d: {  	[sflag:s8] =	ssyncset.done $0x0  }
0x6e: {  	s18 =	rddreg [dreg:$0xb];
	[sflag:s8] =	ssyncadd.s32 $0xFFFFD000  }
0x6f: {  	[spmem:s18] =	stream.linear.scatter [tilespmem:s7], [sflag:$0x9], $0x3000, $0x38;
	[tilespmem:$0x1FB00] =	vst v63  }
0x70: {  	_ =	swait.ge [sflag:s8], $0x3000  }
0x71: {  	[sflag:s8] =	ssyncset.done $0x0  }
0x72: {  	s23 =	rddreg [dreg:$0xc];
	[sflag:s8] =	ssyncadd.s32 $0xFFFFD000  }
0x73: {  	[spmem:s23] =	stream.linear.scatter [tilespmem:s7], [sflag:$0x9], $0x3000, $0x38;
	[tilespmem:$0x1FB00] =	vst v63  }
0x74: {  	_ =	swait.ge [sflag:s8], $0x3000  }
0x75: {  	[sflag:s8] =	ssyncset.done $0x0  }
0x76: {  	s24 =	rddreg [dreg:$0x18];
	[sflag:s8] =	ssyncadd.s32 $0xFFFFD000  }
0x77: {  	[spmem:s24] =	stream.linear.scatter [tilespmem:s7], [sflag:$0x9], $0x3000, $0x38;
	[tilespmem:$0x1FB00] =	vst v63  }
0x78: {  	_ =	swait.ge [sflag:s8], $0x3000  }
0x79: {  	[sflag:s8] =	ssyncset.done $0x0  }
0x7a: {  	s25 =	rddreg [dreg:$0x19];
	[sflag:s8] =	ssyncadd.s32 $0xFFFFD000  }
0x7b: {  	[spmem:s25] =	stream.linear.scatter [tilespmem:s7], [sflag:$0x9], $0x3000, $0x38;
	[tilespmem:$0x1FB00] =	vst v63  }
0x7c: {  	_ =	swait.ge [sflag:s8], $0x3000  }
0x7d: {  	[sflag:s8] =	ssyncset.done $0x0  }
0x7e: {  	s26 =	rddreg [dreg:$0x1a];
	[sflag:s8] =	ssyncadd.s32 $0xFFFFD000  }
0x7f: {  	[spmem:s26] =	stream.linear.scatter [tilespmem:s7], [sflag:$0x9], $0x3000, $0x38;
	[tilespmem:$0x1FB00] =	vst v63  }
0x80: {  	_ =	swait.ge [sflag:s8], $0x3000  }
0x81: {  	[sflag:s8] =	ssyncset.done $0x0  }
0x82: {  	s28 =	rddreg [dreg:$0x1b];
	[sflag:s8] =	ssyncadd.s32 $0xFFFFD000  }
0x83: {  	[spmem:s28] =	stream.linear.scatter [tilespmem:s7], [sflag:$0x9], $0x1800, $0x38;
	[tilespmem:$0x1FB00] =	vst v63  }
0x84: {  	_ =	swait.ge [sflag:s8], $0x1800  }
0x85: {  	[sflag:s8] =	ssyncset.done $0x0  }
0x86: {  	s20 =	simm.s32 @!p0 $0x13880;
	[sflag:s8] =	ssyncadd.s32 $0xFFFFE800  }
0x87: {  	[spmem:s31] =	stream.linear.scatter @!p0 [tilespmem:s20], [sflag:$0x9], $0x800, $0x38;
	[tilespmem:$0x1FB00] =	vst v63  }
0x88: {  	s20 =	simm.s32 @!p0 $0x9  }
0x89: {  	_ =	swait.ge @!p0 [sflag:s20], $0x800  }
0x8a: {  	[sflag:s20] =	ssyncset.done @!p0 $0x0  }
0x8b: {  	s29 =	rddreg [dreg:$0xd];
	[sflag:s20] =	ssyncadd.s32 @!p0 $0xFFFFF800;
	s20 =	simm.s32 $0x0  }
0x8c: {  	[tilespmem:s9], [sflag:$0x5] =	stream.linear.gather [hbm4b:s29+s20], $0x60, $0x38;
	[tilespmem:$0x1FB00] =	vst v63  }
0x8d: {  	s30 =	rddreg [dreg:$0xe]  }
0x8e: {  	[tilespmem:s7], [sflag:$0x1] =	stream.linear.gather [hbm4b:s30+s20], $0x3000, $0x38;
	[tilespmem:$0x1FB00] =	vst v63  }
0x8f: {  	[bflag:$0x0] =	sbarrier.arrive $0xFFFF  }
0x90: {  	s25 =	rddreg [dreg:$0x17]  }
0x91: {  	s24 =	rddreg [dreg:$0x16]  }
0x92: {  	s23 =	rddreg [dreg:$0x15]  }
0x93: {  	s26 =	rddreg [dreg:$0x14]  }
.LBB2_4:
0x94: {  	_ =	swait.ge [sflag:s10], $0x60  }
0x95: {  	[sflag:s10] =	ssyncset.done $0x0  }
0x96: {  	[sflag:s10] =	ssyncadd.s32 $0xFFFFFFA0  }
0x97: {  	_ =	swait.ge [sflag:s12], $0x3000  }
0x98: {  	[sflag:s12] =	ssyncset.done $0x0  }
0x99: {  	[sflag:s12] =	ssyncadd.s32 $0xFFFFD000  }
0x9a: {  	[spmem:s3] =	stream.indirect.scatter.add.f32 [tilespmem:s7], [sflag:$0x9], $0x80, s9, s13, $0xb8;
	[tilespmem:$0x1FB00] =	vst v63  }
0x9b: {  	_ =	swait.ge [sflag:s8], $0x3000  }
0x9c: {  	p1 =	seq.s32 s20, $0x25800;
	[sflag:s8] =	ssyncset.done $0x0  }
0x9d: {  	s22 =	simm.s32 @p1 $0x6;
	[sflag:s8] =	ssyncadd.s32 $0xFFFFD000  }
0x9e: {  	_ =	swait.ge @p1 [sflag:s22], $0x60  }
0x9f: {  	[sflag:s22] =	ssyncset.done @p1 $0x0  }
0xa0: {  	[sflag:s22] =	ssyncadd.s32 @p1 $0xFFFFFFA0;
	s22 =	simm.s32 @p1 $0x2  }
0xa1: {  	_ =	swait.ge @p1 [sflag:s22], $0x3000  }
0xa2: {  	s28 =	simm.s32 @p1 $0x1F900;
	[sflag:s22] =	ssyncset.done @p1 $0x0  }
0xa3: {  	s29 =	simm.s32 @p1 $0x16880;
	[sflag:s22] =	ssyncadd.s32 @p1 $0xFFFFD000;
	s22 =	simm.s32 @p1 $0x60  }
0xa4: {  	[spmem:s3] =	stream.indirect.scatter.add.f32 @p1 [tilespmem:s29], [sflag:$0x9], $0x80, s28, s22, $0xb8;
	[tilespmem:$0x1FB00] =	vst v63  }
0xa5: {  	s22 =	simm.s32 @p1 $0x9  }
0xa6: {  	_ =	swait.ge @p1 [sflag:s22], $0x3000  }
0xa7: {  	[sflag:s22] =	ssyncset.done @p1 $0x0  }
0xa8: {  	[sflag:s22] =	ssyncadd.s32 @p1 $0xFFFFD000;
	s22 =	sshrl.u32 @!p1 s25, $0x3  }
0xa9: {  	s28 =	simm.s32 @!p1 $0x0;
	s29 =	simm.s32 @!p1 $0x1F880;
	s22 =	sadd.s32 @!p1 s0, s22  }
0xaa: {  	[tilespmem:s29], [sflag:$0x5] =	stream.linear.gather @!p1 [hbm4b:s22+s28], $0x60, $0x38;
	[tilespmem:$0x1FB00] =	vst v63  }
0xab: {  	s22 =	sadd.s32 @!p1 s20, s21  }
0xac: {  	s30 =	simm.s32 @!p1 $0x13880;
	s29 =	sadd.s32 @!p1 $0x1800, s22  }
0xad: {  	[tilespmem:s30], [sflag:$0x1] =	stream.linear.gather @!p1 [hbm4b:s29+s28], $0x3000, $0x38;
	[tilespmem:$0x1FB00] =	vst v63  }
0xae: {  	s29 =	simm.s32 @!p1 $0x6  }
0xaf: {  	_ =	swait.ge @!p1 [sflag:s29], $0x60  }
0xb0: {  	[sflag:s29] =	ssyncset.done @!p1 $0x0  }
0xb1: {  	[sflag:s29] =	ssyncadd.s32 @!p1 $0xFFFFFFA0;
	s29 =	simm.s32 @!p1 $0x2  }
0xb2: {  	_ =	swait.ge @!p1 [sflag:s29], $0x3000  }
0xb3: {  	s18 =	simm.s32 @!p1 $0x16880;
	[sflag:s29] =	ssyncset.done @!p1 $0x0  }
0xb4: {  	s30 =	simm.s32 @!p1 $0x1F900;
	[sflag:s29] =	ssyncadd.s32 @!p1 $0xFFFFD000;
	s29 =	simm.s32 @!p1 $0x60  }
0xb5: {  	[spmem:s3] =	stream.indirect.scatter.add.f32 @!p1 [tilespmem:s18], [sflag:$0x9], $0x80, s30, s29, $0xb8;
	[tilespmem:$0x1FB00] =	vst v63  }
0xb6: {  	s29 =	simm.s32 @!p1 $0x9  }
0xb7: {  	_ =	swait.ge @!p1 [sflag:s29], $0x3000  }
0xb8: {  	[sflag:s29] =	ssyncset.done @!p1 $0x0  }
0xb9: {  	[sflag:s29] =	ssyncadd.s32 @!p1 $0xFFFFD000  }
0xba: {  	[tilespmem:s30], [sflag:$0x6] =	stream.linear.gather @!p1 [hbm4b:s24+s28], $0x60, $0x38;
	[tilespmem:$0x1FB00] =	vst v63  }
0xbb: {  	s22 =	sadd.s32 @!p1 $0x1E00, s22  }
0xbc: {  	[tilespmem:s18], [sflag:$0x2] =	stream.linear.gather @!p1 [hbm4b:s22+s28], $0x3000, $0x38;
	[tilespmem:$0x1FB00] =	vst v63  }
0xbd: {  	_ =	swait.ge [sflag:s14], $0x60  }
0xbe: {  	[sflag:s14] =	ssyncset.done $0x0  }
0xbf: {  	[sflag:s14] =	ssyncadd.s32 $0xFFFFFFA0  }
0xc0: {  	_ =	swait.ge [sflag:s15], $0x3000  }
0xc1: {  	[sflag:s15] =	ssyncset.done $0x0  }
.Ltmp3:
0xc2: {  	[sflag:s15] =	ssyncadd.s32 $0xFFFFD000;
	(pc) =	sbr.rel @p1 .LBB2_6-.Ltmp3, $4  }
0xc3: {  	[spmem:s3] =	stream.indirect.scatter.add.f32 [tilespmem:s2], [sflag:$0x9], $0x80, s1, s13, $0xb8;
	[tilespmem:$0x1FB00] =	vst v63  }
0xc4: {  	_ =	swait.ge [sflag:s8], $0x3000  }
0xc5: {  	[sflag:s8] =	ssyncset.done $0x0  }
0xc6: {  	[sflag:s8] =	ssyncadd.s32 $0xFFFFD000  }
0xc7: {  	[tilespmem:s1], [sflag:$0x7] =	stream.linear.gather [hbm4b:s23+s4], $0x60, $0x38;
	[tilespmem:$0x1FB00] =	vst v63  }
0xc8: {  	s18 =	sadd.s32 s20, s21  }
0xc9: {  	s22 =	sadd.s32 $0x2400, s18  }
0xca: {  	[tilespmem:s2], [sflag:$0x3] =	stream.linear.gather [hbm4b:s22+s4], $0x3000, $0x38;
	[tilespmem:$0x1FB00] =	vst v63  }
0xcb: {  	_ =	swait.ge [sflag:s16], $0x60  }
0xcc: {  	[sflag:s16] =	ssyncset.done $0x0  }
0xcd: {  	[sflag:s16] =	ssyncadd.s32 $0xFFFFFFA0  }
0xce: {  	_ =	swait.ge [sflag:s17], $0x3000  }
0xcf: {  	[sflag:s17] =	ssyncset.done $0x0  }
0xd0: {  	[sflag:s17] =	ssyncadd.s32 $0xFFFFD000  }
0xd1: {  	[spmem:s3] =	stream.indirect.scatter.add.f32 [tilespmem:s6], [sflag:$0x9], $0x80, s5, s13, $0xb8;
	[tilespmem:$0x1FB00] =	vst v63  }
0xd2: {  	_ =	swait.ge [sflag:s8], $0x3000  }
.Ltmp4:
0xd3: {  	s20 =	sadd.s32 $0x1800, s20;
	[sflag:s8] =	ssyncset.done $0x0;
	(pc) =	sbr.rel .LBB2_4-.Ltmp4, $4  }
0xd4: {  	s23 =	sadd.s32 $0x30, s23;
	s24 =	sadd.s32 $0x30, s24;
	[sflag:s8] =	ssyncadd.s32 $0xFFFFD000  }
0xd5: {  	[tilespmem:s5], [sflag:$0x8] =	stream.linear.gather [hbm4b:s26+s4], $0x60, $0x38;
	[tilespmem:$0x1FB00] =	vst v63  }
0xd6: {  	s25 =	sadd.s32 $0x180, s25;
	s18 =	sadd.s32 $0x2A00, s18;
	s26 =	sadd.s32 $0x30, s26  }
0xd7: {  	[tilespmem:s6], [sflag:$0x4] =	stream.linear.gather [hbm4b:s18+s4], $0x3000, $0x38;
	[tilespmem:$0x1FB00] =	vst v63  }
.LBB2_7:
0xd8: {  	_ =	sfence.sel $0x180000  }
0xd9: {  	[bflag:$0x0] =	sbarrier.arrive $0xFFFF  }
0xda: {  	_ =	strace $0x90000047  }
0xdb: {  	s0 =	stileid.u32;
	[bflag:$0x2] =	sbarrier.arrive $0xFFFF  }
0xdc: {  	p0 =	sne.s32 s0, $0x0;
	s0 =	rddreg [dreg:$0x4]  }
0xdd: {  	s0 =	sadd.s32 @!p0 $0x100000, s0  }
0xde: {  	[sflag:s0] =	ssyncadd.tile.s32 @!p0 $0x1;
	_ =	shalt  }
.Lfunc_end2:
_tile_overlayer_lowered:
.L_overlay_start_2:
0xdf: {  	(tag) =	ssettag $0x2  }
0xe0: {  	s0 =	rddreg [dreg:$0x0];
	s2 =	stileid.u32  }
0xe1: {  	s1 =	rddreg [dreg:$0x1];
	p0 =	sne.s32 s2, $0x0  }
0xe2: {  	s3 =	rddreg [dreg:$0x2];
	[bflag:$0x3] =	sbarrier.arrive $0xFFFF;
	s2 =	simm.s32 @!p0 $0x1C09  }
0xe3: {  	[timem:s3], [sflag:s2] =	dma.local @!p0 [hbm:s0], s1  }
0xe4: {  	s0 =	simm.s32 @!p0 $0x9  }
0xe5: {  	_ =	swait.ge @!p0 [sflag:s0], s1  }
0xe6: {  	s1 =	ssub.s32 @!p0 $0x0, s1;
	[sflag:s0] =	ssyncset.done @!p0 $0x0  }
0xe7: {  	[sflag:s0] =	ssyncadd.s32 @!p0 s1  }
0xe8: {  	[bflag:$0x3] =	sbarrier.arrive $0xFFFF  }
0xe9: {  	_ =	shalt  }

</sc_bundles>
